<compile_context>
chip_gen: v7x
topology: tpu7x:2x2x1
jax: 0.10.2.dev20260603
libtpu: 0.0.44.dev20260713+nightly
codegen_flags: <defaults>
</compile_context>

<pallas_src>
import functools

import jax
import jax.numpy as jnp
from jax import lax
from jax.experimental import pallas as pl
from jax.experimental.pallas import tpu as pltpu
from jax.experimental.pallas import tpu_sc as plsc

NC = 2
NS = 16
NW = NC * NS


@functools.lru_cache(maxsize=None)
def _build(V, B, H):
    PAIR = 2
    RPW = B // PAIR // NW
    HP = 56
    nbuf = 4
    assert RPW % nbuf == 0
    ngroups = RPW // nbuf
    mesh = plsc.VectorSubcoreMesh(
        core_axis_name="c", subcore_axis_name="s",
        num_cores=NC, num_subcores=NS)

    @functools.partial(
        pl.kernel,
        out_type=jax.ShapeDtypeStruct((B, HP, 128), jnp.float32),
        mesh=mesh,
        scratch_types=[
            pltpu.VMEM((RPW, 128), jnp.int32),
            pltpu.VMEM((nbuf, 104, 128), jnp.float32),
            [pltpu.SemaphoreType.DMA] * nbuf,
            [pltpu.SemaphoreType.DMA] * nbuf,
        ],
        compiler_params=pltpu.CompilerParams(use_tc_tiling_on_sc=False),
    )
    def emb(table_hbm, idx_hbm, out_hbm, idx_v, rows_v, gsems, ssems):
        wid = lax.axis_index("s") * NC + lax.axis_index("c")
        base = wid * RPW
        pltpu.sync_copy(idx_hbm.at[pl.ds(base, RPW)], idx_v)

        def gather(i, k):
            pltpu.async_copy(table_hbm.at[idx_v.at[i, pl.ds(0, 104)]],
                             rows_v.at[k], gsems[k])

        def stores_start(i, k):
            b0 = (base + i) * PAIR
            c0 = pltpu.async_copy(
                rows_v.at[k, pl.ds(0, H), pl.ds(0, 64)],
                out_hbm.at[b0, pl.ds(0, H), pl.ds(0, 64)], ssems[k])
            c1 = pltpu.async_copy(
                rows_v.at[k, pl.ds(H, H), pl.ds(0, 64)],
                out_hbm.at[b0 + 1, pl.ds(0, H), pl.ds(0, 64)], ssems[k])
            return c0, c1

        def wait_gather(k):
            pltpu.make_async_copy(
                table_hbm.at[pl.ds(0, 104)], rows_v.at[k], gsems[k]).wait()

        for k in range(nbuf):
            gather(k, k)

        def group(gi, carry):
            g = gi * nbuf
            for k in range(nbuf):
                wait_gather(k)
                c0, c1 = stores_start(g + k, k)
                c0.wait()
                c1.wait()
                gather(g + k + nbuf, k)
            return carry

        lax.fori_loop(0, ngroups - 1, group, 0)

        g = (ngroups - 1) * nbuf
        for k in range(nbuf):
            wait_gather(k)
            c0, c1 = stores_start(g + k, k)
            c0.wait()
            c1.wait()

    return emb, PAIR


def kernel(input_, weight):
    B, H = input_.shape
    V, D = weight.shape
    emb, pair = _build(V, B, H)
    table = jnp.pad(weight, ((0, 0), (0, 128 - D)))
    nrow = B // pair
    npad = 128 - pair * H
    fill = (jnp.arange(nrow, dtype=jnp.int32)[:, None] * npad
            + jnp.arange(npad, dtype=jnp.int32)[None, :]) % V
    idx = jnp.concatenate(
        [input_.astype(jnp.int32).reshape(nrow, pair * H), fill], axis=1)
    out = emb(table, idx)
    return lax.slice(out, (0, 0, 0), (B, H, D))

# --- scband reference (transcript-rebuilt; emitter-appended) ---
"""Pipeline reference for scband-embedding1-d-18270790877242 (READ-ONLY COPY).

The authoritative reference and input builder live on the scoring server;
editing this copy changes nothing except your own understanding.
"""

import jax, jax.numpy as jnp
import numpy as np

NUM_EMBEDDINGS = 1000000
EMBED_DIM = 64
BATCH = 16384
HIST = 50

def setup_inputs(seed: int = 0) -> dict:
    key = jax.random.key(seed)
    k1, k2 = jax.random.split(key)
    input_ = jax.random.randint(k1, (BATCH, HIST), 0, NUM_EMBEDDINGS, dtype=jnp.int64 if jax.config.jax_enable_x64 else jnp.int32)
    # normal_() initializer over the (per-partition) embedding table; world_size=1 -> full embed dim
    weight = jax.random.normal(k2, (NUM_EMBEDDINGS, EMBED_DIM), dtype=jnp.float32)
    return {"input_": input_, "weight": weight}

def reference(input_, weight):
    # F.embedding(input_, weight) == gather rows of the table
    output_parallel = jnp.take(weight, input_, axis=0)
    # gather_forward_split_backward over dim=-1 is identity with world_size=1
    return output_parallel

if __name__ == "__main__":
    import jax
    _d = setup_inputs()
    print(jax.jit(kernel)(*tuple(_d.values())))

</pallas_src>

<mosaic_0001>
#map = affine_map<(d0, d1) -> (0, 0)>
#map1 = affine_map<(d0, d1) -> (0, 0, 0)>
module attributes {stable_mosaic.version = 14 : i64} {
  func.func @emb(%arg0: i32, %arg1: i32, %arg2: memref<1000000x128xf32, #tpu.memory_space<hbm>>, %arg3: memref<8192x128xi32, #tpu.memory_space<hbm>>, %arg4: memref<16384x56x128xf32, #tpu.memory_space<hbm>>, %arg5: memref<256x128xi32, #tpu.memory_space<vmem>>, %arg6: memref<4x104x128xf32, #tpu.memory_space<vmem>>, %arg7: memref<!tpu.dma_semaphore, #tpu.memory_space<semaphore_mem>>, %arg8: memref<!tpu.dma_semaphore, #tpu.memory_space<semaphore_mem>>, %arg9: memref<!tpu.dma_semaphore, #tpu.memory_space<semaphore_mem>>, %arg10: memref<!tpu.dma_semaphore, #tpu.memory_space<semaphore_mem>>, %arg11: memref<!tpu.dma_semaphore, #tpu.memory_space<semaphore_mem>>, %arg12: memref<!tpu.dma_semaphore, #tpu.memory_space<semaphore_mem>>, %arg13: memref<!tpu.dma_semaphore, #tpu.memory_space<semaphore_mem>>, %arg14: memref<!tpu.dma_semaphore, #tpu.memory_space<semaphore_mem>>) attributes {dimension_semantics = [#tpu.dimension_semantics<core_parallel>, #tpu.dimension_semantics<subcore_parallel>], iteration_bounds = array<i64: 2, 16>, scalar_prefetch = 0 : i64, scratch_operands = 10 : i64, tpu.core_type = #tpu.core_type<sc_vector_subcore>, window_params = [{transform_indices = #map}, {transform_indices = #map}, {transform_indices = #map1}]} {
    %mul3A = arith.constant 2 : i32
    %mul3A_0 = arith.muli %arg1, %mul3A : i32
    %add3A = arith.addi %mul3A_0, %arg0 : i32
    %mul3A_1 = arith.constant 256 : i32
    %mul3A_2 = arith.muli %add3A, %mul3A_1 : i32
    "tpu.region"() ({
      %run_scoped3A = tpu.sem_alloc : memref<!tpu.dma_semaphore, #tpu.memory_space<semaphore_mem>>
      %dma_start3A_410 = arith.constant 0 : i32
      %dma_start3A_411 = tpu.memref_slice %arg3[%mul3A_2, %dma_start3A_410] : memref<8192x128xi32, #tpu.memory_space<hbm>> -> memref<256x128xi32, #tpu.memory_space<hbm>>
      %dma_start3A_412 = arith.constant 0 : i32
      %dma_start3A_413 = tpu.memref_slice %arg3[%mul3A_2, %dma_start3A_412] : memref<8192x128xi32, #tpu.memory_space<hbm>> -> memref<256x128xi32, #tpu.memory_space<hbm>>
      tpu.enqueue_dma source(%dma_start3A_413 : memref<256x128xi32, #tpu.memory_space<hbm>>) target(%arg5 : memref<256x128xi32, #tpu.memory_space<vmem>>) target_semaphore(%run_scoped3A : memref<!tpu.dma_semaphore, #tpu.memory_space<semaphore_mem>>)
      %dma_wait3A_414 = arith.constant 0 : i32
      %dma_wait3A_415 = tpu.memref_slice %arg3[%mul3A_2, %dma_wait3A_414] : memref<8192x128xi32, #tpu.memory_space<hbm>> -> memref<256x128xi32, #tpu.memory_space<hbm>>
      %dma_wait3A_416 = arith.constant 0 : i32
      %dma_wait3A_417 = tpu.memref_slice %arg3[%mul3A_2, %dma_wait3A_416] : memref<8192x128xi32, #tpu.memory_space<hbm>> -> memref<256x128xi32, #tpu.memory_space<hbm>>
      tpu.wait_dma2 semaphore(%run_scoped3A : memref<!tpu.dma_semaphore, #tpu.memory_space<semaphore_mem>>) src(%dma_wait3A_417 : memref<256x128xi32, #tpu.memory_space<hbm>>) dst(%arg5 : memref<256x128xi32, #tpu.memory_space<vmem>>)
      tpu.yield
    }) : () -> ()
    %dma_start3A = arith.constant 0 : i32
    %dma_start3A_3 = arith.constant 0 : i32
    %dma_start3A_4 = arith.constant 0 : i32
    %dma_start3A_5 = arith.constant 0 : i32
    %dma_start3A_6 = tpu.memref_slice %arg6[%dma_start3A_3, %dma_start3A_4, %dma_start3A_5] : memref<4x104x128xf32, #tpu.memory_space<vmem>> -> memref<1x104x128xf32, #tpu.memory_space<vmem>>
    %dma_start3A_7 = tpu.memref_squeeze %dma_start3A_6 : memref<1x104x128xf32, #tpu.memory_space<vmem>> -> memref<104x128xf32, #tpu.memory_space<vmem>>
    %dma_start3A_8 = arith.constant 0 : i32
    %dma_start3A_9 = tpu.memref_slice %arg5[%dma_start3A, %dma_start3A_8] : memref<256x128xi32, #tpu.memory_space<vmem>> -> memref<1x104xi32, #tpu.memory_space<vmem>>
    %dma_start3A_10 = tpu.memref_squeeze %dma_start3A_9 : memref<1x104xi32, #tpu.memory_space<vmem>> -> memref<104xi32, #tpu.memory_space<vmem>>
    %dma_start3A_11 = arith.constant 0 : i32
    %dma_start3A_12 = arith.constant 0 : i32
    %dma_start3A_13 = tpu.memref_slice %arg2[%dma_start3A_11, %dma_start3A_12] : memref<1000000x128xf32, #tpu.memory_space<hbm>> -> memref<1000000x128xf32, #tpu.memory_space<hbm>>
    tpu.enqueue_indirect_dma source(%dma_start3A_13 : memref<1000000x128xf32, #tpu.memory_space<hbm>>) target(%dma_start3A_7 : memref<104x128xf32, #tpu.memory_space<vmem>>) offsets(%dma_start3A_10 : memref<104xi32, #tpu.memory_space<vmem>>) semaphore(%arg7 : memref<!tpu.dma_semaphore, #tpu.memory_space<semaphore_mem>>)
    %dma_start3A_14 = arith.constant 1 : i32
    %dma_start3A_15 = arith.constant 1 : i32
    %dma_start3A_16 = arith.constant 0 : i32
    %dma_start3A_17 = arith.constant 0 : i32
    %dma_start3A_18 = tpu.memref_slice %arg6[%dma_start3A_15, %dma_start3A_16, %dma_start3A_17] : memref<4x104x128xf32, #tpu.memory_space<vmem>> -> memref<1x104x128xf32, #tpu.memory_space<vmem>>
    %dma_start3A_19 = tpu.memref_squeeze %dma_start3A_18 : memref<1x104x128xf32, #tpu.memory_space<vmem>> -> memref<104x128xf32, #tpu.memory_space<vmem>>
    %dma_start3A_20 = arith.constant 0 : i32
    %dma_start3A_21 = tpu.memref_slice %arg5[%dma_start3A_14, %dma_start3A_20] : memref<256x128xi32, #tpu.memory_space<vmem>> -> memref<1x104xi32, #tpu.memory_space<vmem>>
    %dma_start3A_22 = tpu.memref_squeeze %dma_start3A_21 : memref<1x104xi32, #tpu.memory_space<vmem>> -> memref<104xi32, #tpu.memory_space<vmem>>
    %dma_start3A_23 = arith.constant 0 : i32
    %dma_start3A_24 = arith.constant 0 : i32
    %dma_start3A_25 = tpu.memref_slice %arg2[%dma_start3A_23, %dma_start3A_24] : memref<1000000x128xf32, #tpu.memory_space<hbm>> -> memref<1000000x128xf32, #tpu.memory_space<hbm>>
    tpu.enqueue_indirect_dma source(%dma_start3A_25 : memref<1000000x128xf32, #tpu.memory_space<hbm>>) target(%dma_start3A_19 : memref<104x128xf32, #tpu.memory_space<vmem>>) offsets(%dma_start3A_22 : memref<104xi32, #tpu.memory_space<vmem>>) semaphore(%arg8 : memref<!tpu.dma_semaphore, #tpu.memory_space<semaphore_mem>>)
    %dma_start3A_26 = arith.constant 2 : i32
    %dma_start3A_27 = arith.constant 2 : i32
    %dma_start3A_28 = arith.constant 0 : i32
    %dma_start3A_29 = arith.constant 0 : i32
    %dma_start3A_30 = tpu.memref_slice %arg6[%dma_start3A_27, %dma_start3A_28, %dma_start3A_29] : memref<4x104x128xf32, #tpu.memory_space<vmem>> -> memref<1x104x128xf32, #tpu.memory_space<vmem>>
    %dma_start3A_31 = tpu.memref_squeeze %dma_start3A_30 : memref<1x104x128xf32, #tpu.memory_space<vmem>> -> memref<104x128xf32, #tpu.memory_space<vmem>>
    %dma_start3A_32 = arith.constant 0 : i32
    %dma_start3A_33 = tpu.memref_slice %arg5[%dma_start3A_26, %dma_start3A_32] : memref<256x128xi32, #tpu.memory_space<vmem>> -> memref<1x104xi32, #tpu.memory_space<vmem>>
    %dma_start3A_34 = tpu.memref_squeeze %dma_start3A_33 : memref<1x104xi32, #tpu.memory_space<vmem>> -> memref<104xi32, #tpu.memory_space<vmem>>
    %dma_start3A_35 = arith.constant 0 : i32
    %dma_start3A_36 = arith.constant 0 : i32
    %dma_start3A_37 = tpu.memref_slice %arg2[%dma_start3A_35, %dma_start3A_36] : memref<1000000x128xf32, #tpu.memory_space<hbm>> -> memref<1000000x128xf32, #tpu.memory_space<hbm>>
    tpu.enqueue_indirect_dma source(%dma_start3A_37 : memref<1000000x128xf32, #tpu.memory_space<hbm>>) target(%dma_start3A_31 : memref<104x128xf32, #tpu.memory_space<vmem>>) offsets(%dma_start3A_34 : memref<104xi32, #tpu.memory_space<vmem>>) semaphore(%arg9 : memref<!tpu.dma_semaphore, #tpu.memory_space<semaphore_mem>>)
    %dma_start3A_38 = arith.constant 3 : i32
    %dma_start3A_39 = arith.constant 3 : i32
    %dma_start3A_40 = arith.constant 0 : i32
    %dma_start3A_41 = arith.constant 0 : i32
    %dma_start3A_42 = tpu.memref_slice %arg6[%dma_start3A_39, %dma_start3A_40, %dma_start3A_41] : memref<4x104x128xf32, #tpu.memory_space<vmem>> -> memref<1x104x128xf32, #tpu.memory_space<vmem>>
    %dma_start3A_43 = tpu.memref_squeeze %dma_start3A_42 : memref<1x104x128xf32, #tpu.memory_space<vmem>> -> memref<104x128xf32, #tpu.memory_space<vmem>>
    %dma_start3A_44 = arith.constant 0 : i32
    %dma_start3A_45 = tpu.memref_slice %arg5[%dma_start3A_38, %dma_start3A_44] : memref<256x128xi32, #tpu.memory_space<vmem>> -> memref<1x104xi32, #tpu.memory_space<vmem>>
    %dma_start3A_46 = tpu.memref_squeeze %dma_start3A_45 : memref<1x104xi32, #tpu.memory_space<vmem>> -> memref<104xi32, #tpu.memory_space<vmem>>
    %dma_start3A_47 = arith.constant 0 : i32
    %dma_start3A_48 = arith.constant 0 : i32
    %dma_start3A_49 = tpu.memref_slice %arg2[%dma_start3A_47, %dma_start3A_48] : memref<1000000x128xf32, #tpu.memory_space<hbm>> -> memref<1000000x128xf32, #tpu.memory_space<hbm>>
    tpu.enqueue_indirect_dma source(%dma_start3A_49 : memref<1000000x128xf32, #tpu.memory_space<hbm>>) target(%dma_start3A_43 : memref<104x128xf32, #tpu.memory_space<vmem>>) offsets(%dma_start3A_46 : memref<104xi32, #tpu.memory_space<vmem>>) semaphore(%arg10 : memref<!tpu.dma_semaphore, #tpu.memory_space<semaphore_mem>>)
    %scan3A = arith.constant 0 : i32
    %scan3A_50 = arith.constant 0 : i32
    %scan3A_51 = arith.constant 63 : i32
    %scan3A_52 = arith.addi %scan3A_50, %scan3A_51 : i32
    %scan3A_53 = arith.constant 1 : i32
    scf.for %scan3A_410 = %scan3A_50 to %scan3A_52 step %scan3A_53  : i32 {
      %mul3A_411 = arith.constant 4 : i32
      %mul3A_412 = arith.muli %scan3A_410, %mul3A_411 : i32
      %dma_wait3A_413 = arith.constant 0 : i32
      %dma_wait3A_414 = arith.constant 0 : i32
      %dma_wait3A_415 = arith.constant 0 : i32
      %dma_wait3A_416 = tpu.memref_slice %arg6[%dma_wait3A_413, %dma_wait3A_414, %dma_wait3A_415] : memref<4x104x128xf32, #tpu.memory_space<vmem>> -> memref<1x104x128xf32, #tpu.memory_space<vmem>>
      %dma_wait3A_417 = tpu.memref_squeeze %dma_wait3A_416 : memref<1x104x128xf32, #tpu.memory_space<vmem>> -> memref<104x128xf32, #tpu.memory_space<vmem>>
      %dma_wait3A_418 = arith.constant 0 : i32
      %dma_wait3A_419 = arith.constant 0 : i32
      %dma_wait3A_420 = tpu.memref_slice %arg2[%dma_wait3A_418, %dma_wait3A_419] : memref<1000000x128xf32, #tpu.memory_space<hbm>> -> memref<104x128xf32, #tpu.memory_space<hbm>>
      %dma_wait3A_421 = arith.constant 0 : i32
      %dma_wait3A_422 = arith.constant 0 : i32
      %dma_wait3A_423 = tpu.memref_slice %arg6[%dma_wait3A_413, %dma_wait3A_421, %dma_wait3A_422] : memref<4x104x128xf32, #tpu.memory_space<vmem>> -> memref<1x104x128xf32, #tpu.memory_space<vmem>>
      %dma_wait3A_424 = tpu.memref_squeeze %dma_wait3A_423 : memref<1x104x128xf32, #tpu.memory_space<vmem>> -> memref<104x128xf32, #tpu.memory_space<vmem>>
      %dma_wait3A_425 = arith.constant 0 : i32
      %dma_wait3A_426 = arith.constant 0 : i32
      %dma_wait3A_427 = tpu.memref_slice %arg2[%dma_wait3A_425, %dma_wait3A_426] : memref<1000000x128xf32, #tpu.memory_space<hbm>> -> memref<104x128xf32, #tpu.memory_space<hbm>>
      tpu.wait_dma2 semaphore(%arg7 : memref<!tpu.dma_semaphore, #tpu.memory_space<semaphore_mem>>) src(%dma_wait3A_427 : memref<104x128xf32, #tpu.memory_space<hbm>>) dst(%dma_wait3A_424 : memref<104x128xf32, #tpu.memory_space<vmem>>)
      %add3A_428 = arith.constant 0 : i32
      %add3A_429 = arith.addi %mul3A_412, %add3A_428 : i32
      %add3A_430 = arith.addi %mul3A_2, %add3A_429 : i32
      %mul3A_431 = arith.constant 2 : i32
      %mul3A_432 = arith.muli %add3A_430, %mul3A_431 : i32
      %dma_start3A_433 = arith.constant 0 : i32
      %dma_start3A_434 = arith.constant 0 : i32
      %dma_start3A_435 = arith.constant 0 : i32
      %dma_start3A_436 = tpu.memref_slice %arg6[%dma_start3A_433, %dma_start3A_434, %dma_start3A_435] : memref<4x104x128xf32, #tpu.memory_space<vmem>> -> memref<1x50x64xf32, #tpu.memory_space<vmem>>
      %dma_start3A_437 = tpu.memref_squeeze %dma_start3A_436 : memref<1x50x64xf32, #tpu.memory_space<vmem>> -> memref<50x64xf32, #tpu.memory_space<vmem>>
      %dma_start3A_438 = arith.constant 0 : i32
      %dma_start3A_439 = arith.constant 0 : i32
      %dma_start3A_440 = tpu.memref_slice %arg4[%mul3A_432, %dma_start3A_438, %dma_start3A_439] : memref<16384x56x128xf32, #tpu.memory_space<hbm>> -> memref<1x50x64xf32, #tpu.memory_space<hbm>>
      %dma_start3A_441 = tpu.memref_squeeze %dma_start3A_440 : memref<1x50x64xf32, #tpu.memory_space<hbm>> -> memref<50x64xf32, #tpu.memory_space<hbm>>
      %dma_start3A_442 = arith.constant 0 : i32
      %dma_start3A_443 = arith.constant 0 : i32
      %dma_start3A_444 = tpu.memref_slice %arg4[%mul3A_432, %dma_start3A_442, %dma_start3A_443] : memref<16384x56x128xf32, #tpu.memory_space<hbm>> -> memref<1x50x64xf32, #tpu.memory_space<hbm>>
      %dma_start3A_445 = tpu.memref_squeeze %dma_start3A_444 : memref<1x50x64xf32, #tpu.memory_space<hbm>> -> memref<50x64xf32, #tpu.memory_space<hbm>>
      %dma_start3A_446 = arith.constant 0 : i32
      %dma_start3A_447 = arith.constant 0 : i32
      %dma_start3A_448 = tpu.memref_slice %arg6[%dma_start3A_433, %dma_start3A_446, %dma_start3A_447] : memref<4x104x128xf32, #tpu.memory_space<vmem>> -> memref<1x50x64xf32, #tpu.memory_space<vmem>>
      %dma_start3A_449 = tpu.memref_squeeze %dma_start3A_448 : memref<1x50x64xf32, #tpu.memory_space<vmem>> -> memref<50x64xf32, #tpu.memory_space<vmem>>
      tpu.enqueue_dma source(%dma_start3A_449 : memref<50x64xf32, #tpu.memory_space<vmem>>) target(%dma_start3A_445 : memref<50x64xf32, #tpu.memory_space<hbm>>) target_semaphore(%arg11 : memref<!tpu.dma_semaphore, #tpu.memory_space<semaphore_mem>>)
      %add3A_450 = arith.constant 1 : i32
      %add3A_451 = arith.addi %mul3A_432, %add3A_450 : i32
      %dma_start3A_452 = arith.constant 0 : i32
      %dma_start3A_453 = arith.constant 50 : i32
      %dma_start3A_454 = arith.constant 0 : i32
      %dma_start3A_455 = tpu.memref_slice %arg6[%dma_start3A_452, %dma_start3A_453, %dma_start3A_454] : memref<4x104x128xf32, #tpu.memory_space<vmem>> -> memref<1x50x64xf32, #tpu.memory_space<vmem>>
      %dma_start3A_456 = tpu.memref_squeeze %dma_start3A_455 : memref<1x50x64xf32, #tpu.memory_space<vmem>> -> memref<50x64xf32, #tpu.memory_space<vmem>>
      %dma_start3A_457 = arith.constant 0 : i32
      %dma_start3A_458 = arith.constant 0 : i32
      %dma_start3A_459 = tpu.memref_slice %arg4[%add3A_451, %dma_start3A_457, %dma_start3A_458] : memref<16384x56x128xf32, #tpu.memory_space<hbm>> -> memref<1x50x64xf32, #tpu.memory_space<hbm>>
      %dma_start3A_460 = tpu.memref_squeeze %dma_start3A_459 : memref<1x50x64xf32, #tpu.memory_space<hbm>> -> memref<50x64xf32, #tpu.memory_space<hbm>>
      %dma_start3A_461 = arith.constant 0 : i32
      %dma_start3A_462 = arith.constant 0 : i32
      %dma_start3A_463 = tpu.memref_slice %arg4[%add3A_451, %dma_start3A_461, %dma_start3A_462] : memref<16384x56x128xf32, #tpu.memory_space<hbm>> -> memref<1x50x64xf32, #tpu.memory_space<hbm>>
      %dma_start3A_464 = tpu.memref_squeeze %dma_start3A_463 : memref<1x50x64xf32, #tpu.memory_space<hbm>> -> memref<50x64xf32, #tpu.memory_space<hbm>>
      %dma_start3A_465 = arith.constant 50 : i32
      %dma_start3A_466 = arith.constant 0 : i32
      %dma_start3A_467 = tpu.memref_slice %arg6[%dma_start3A_452, %dma_start3A_465, %dma_start3A_466] : memref<4x104x128xf32, #tpu.memory_space<vmem>> -> memref<1x50x64xf32, #tpu.memory_space<vmem>>
      %dma_start3A_468 = tpu.memref_squeeze %dma_start3A_467 : memref<1x50x64xf32, #tpu.memory_space<vmem>> -> memref<50x64xf32, #tpu.memory_space<vmem>>
      tpu.enqueue_dma source(%dma_start3A_468 : memref<50x64xf32, #tpu.memory_space<vmem>>) target(%dma_start3A_464 : memref<50x64xf32, #tpu.memory_space<hbm>>) target_semaphore(%arg11 : memref<!tpu.dma_semaphore, #tpu.memory_space<semaphore_mem>>)
      %dma_wait3A_469 = arith.constant 0 : i32
      %dma_wait3A_470 = arith.constant 0 : i32
      %dma_wait3A_471 = arith.constant 0 : i32
      %dma_wait3A_472 = tpu.memref_slice %arg6[%dma_wait3A_469, %dma_wait3A_470, %dma_wait3A_471] : memref<4x104x128xf32, #tpu.memory_space<vmem>> -> memref<1x50x64xf32, #tpu.memory_space<vmem>>
      %dma_wait3A_473 = tpu.memref_squeeze %dma_wait3A_472 : memref<1x50x64xf32, #tpu.memory_space<vmem>> -> memref<50x64xf32, #tpu.memory_space<vmem>>
      %dma_wait3A_474 = arith.constant 0 : i32
      %dma_wait3A_475 = arith.constant 0 : i32
      %dma_wait3A_476 = tpu.memref_slice %arg4[%mul3A_432, %dma_wait3A_474, %dma_wait3A_475] : memref<16384x56x128xf32, #tpu.memory_space<hbm>> -> memref<1x50x64xf32, #tpu.memory_space<hbm>>
      %dma_wait3A_477 = tpu.memref_squeeze %dma_wait3A_476 : memref<1x50x64xf32, #tpu.memory_space<hbm>> -> memref<50x64xf32, #tpu.memory_space<hbm>>
      %dma_wait3A_478 = arith.constant 0 : i32
      %dma_wait3A_479 = arith.constant 0 : i32
      %dma_wait3A_480 = tpu.memref_slice %arg4[%mul3A_432, %dma_wait3A_478, %dma_wait3A_479] : memref<16384x56x128xf32, #tpu.memory_space<hbm>> -> memref<1x50x64xf32, #tpu.memory_space<hbm>>
      %dma_wait3A_481 = tpu.memref_squeeze %dma_wait3A_480 : memref<1x50x64xf32, #tpu.memory_space<hbm>> -> memref<50x64xf32, #tpu.memory_space<hbm>>
      %dma_wait3A_482 = arith.constant 0 : i32
      %dma_wait3A_483 = arith.constant 0 : i32
      %dma_wait3A_484 = tpu.memref_slice %arg6[%dma_wait3A_469, %dma_wait3A_482, %dma_wait3A_483] : memref<4x104x128xf32, #tpu.memory_space<vmem>> -> memref<1x50x64xf32, #tpu.memory_space<vmem>>
      %dma_wait3A_485 = tpu.memref_squeeze %dma_wait3A_484 : memref<1x50x64xf32, #tpu.memory_space<vmem>> -> memref<50x64xf32, #tpu.memory_space<vmem>>
      tpu.wait_dma2 semaphore(%arg11 : memref<!tpu.dma_semaphore, #tpu.memory_space<semaphore_mem>>) src(%dma_wait3A_485 : memref<50x64xf32, #tpu.memory_space<vmem>>) dst(%dma_wait3A_481 : memref<50x64xf32, #tpu.memory_space<hbm>>)
      %dma_wait3A_486 = arith.constant 0 : i32
      %dma_wait3A_487 = arith.constant 50 : i32
      %dma_wait3A_488 = arith.constant 0 : i32
      %dma_wait3A_489 = tpu.memref_slice %arg6[%dma_wait3A_486, %dma_wait3A_487, %dma_wait3A_488] : memref<4x104x128xf32, #tpu.memory_space<vmem>> -> memref<1x50x64xf32, #tpu.memory_space<vmem>>
      %dma_wait3A_490 = tpu.memref_squeeze %dma_wait3A_489 : memref<1x50x64xf32, #tpu.memory_space<vmem>> -> memref<50x64xf32, #tpu.memory_space<vmem>>
      %dma_wait3A_491 = arith.constant 0 : i32
      %dma_wait3A_492 = arith.constant 0 : i32
      %dma_wait3A_493 = tpu.memref_slice %arg4[%add3A_451, %dma_wait3A_491, %dma_wait3A_492] : memref<16384x56x128xf32, #tpu.memory_space<hbm>> -> memref<1x50x64xf32, #tpu.memory_space<hbm>>
      %dma_wait3A_494 = tpu.memref_squeeze %dma_wait3A_493 : memref<1x50x64xf32, #tpu.memory_space<hbm>> -> memref<50x64xf32, #tpu.memory_space<hbm>>
      %dma_wait3A_495 = arith.constant 0 : i32
      %dma_wait3A_496 = arith.constant 0 : i32
      %dma_wait3A_497 = tpu.memref_slice %arg4[%add3A_451, %dma_wait3A_495, %dma_wait3A_496] : memref<16384x56x128xf32, #tpu.memory_space<hbm>> -> memref<1x50x64xf32, #tpu.memory_space<hbm>>
      %dma_wait3A_498 = tpu.memref_squeeze %dma_wait3A_497 : memref<1x50x64xf32, #tpu.memory_space<hbm>> -> memref<50x64xf32, #tpu.memory_space<hbm>>
      %dma_wait3A_499 = arith.constant 50 : i32
      %dma_wait3A_500 = arith.constant 0 : i32
      %dma_wait3A_501 = tpu.memref_slice %arg6[%dma_wait3A_486, %dma_wait3A_499, %dma_wait3A_500] : memref<4x104x128xf32, #tpu.memory_space<vmem>> -> memref<1x50x64xf32, #tpu.memory_space<vmem>>
      %dma_wait3A_502 = tpu.memref_squeeze %dma_wait3A_501 : memref<1x50x64xf32, #tpu.memory_space<vmem>> -> memref<50x64xf32, #tpu.memory_space<vmem>>
      tpu.wait_dma2 semaphore(%arg11 : memref<!tpu.dma_semaphore, #tpu.memory_space<semaphore_mem>>) src(%dma_wait3A_502 : memref<50x64xf32, #tpu.memory_space<vmem>>) dst(%dma_wait3A_498 : memref<50x64xf32, #tpu.memory_space<hbm>>)
      %add3A_503 = arith.constant 0 : i32
      %add3A_504 = arith.addi %mul3A_412, %add3A_503 : i32
      %add3A_505 = arith.constant 4 : i32
      %add3A_506 = arith.addi %add3A_504, %add3A_505 : i32
      %dma_start3A_507 = arith.constant 0 : i32
      %dma_start3A_508 = arith.constant 0 : i32
      %dma_start3A_509 = arith.constant 0 : i32
      %dma_start3A_510 = tpu.memref_slice %arg6[%dma_start3A_507, %dma_start3A_508, %dma_start3A_509] : memref<4x104x128xf32, #tpu.memory_space<vmem>> -> memref<1x104x128xf32, #tpu.memory_space<vmem>>
      %dma_start3A_511 = tpu.memref_squeeze %dma_start3A_510 : memref<1x104x128xf32, #tpu.memory_space<vmem>> -> memref<104x128xf32, #tpu.memory_space<vmem>>
      %dma_start3A_512 = arith.constant 0 : i32
      %dma_start3A_513 = tpu.memref_slice %arg5[%add3A_506, %dma_start3A_512] : memref<256x128xi32, #tpu.memory_space<vmem>> -> memref<1x104xi32, #tpu.memory_space<vmem>>
      %dma_start3A_514 = tpu.memref_squeeze %dma_start3A_513 : memref<1x104xi32, #tpu.memory_space<vmem>> -> memref<104xi32, #tpu.memory_space<vmem>>
      %dma_start3A_515 = arith.constant 0 : i32
      %dma_start3A_516 = arith.constant 0 : i32
      %dma_start3A_517 = tpu.memref_slice %arg2[%dma_start3A_515, %dma_start3A_516] : memref<1000000x128xf32, #tpu.memory_space<hbm>> -> memref<1000000x128xf32, #tpu.memory_space<hbm>>
      tpu.enqueue_indirect_dma source(%dma_start3A_517 : memref<1000000x128xf32, #tpu.memory_space<hbm>>) target(%dma_start3A_511 : memref<104x128xf32, #tpu.memory_space<vmem>>) offsets(%dma_start3A_514 : memref<104xi32, #tpu.memory_space<vmem>>) semaphore(%arg7 : memref<!tpu.dma_semaphore, #tpu.memory_space<semaphore_mem>>)
      %dma_wait3A_518 = arith.constant 1 : i32
      %dma_wait3A_519 = arith.constant 0 : i32
      %dma_wait3A_520 = arith.constant 0 : i32
      %dma_wait3A_521 = tpu.memref_slice %arg6[%dma_wait3A_518, %dma_wait3A_519, %dma_wait3A_520] : memref<4x104x128xf32, #tpu.memory_space<vmem>> -> memref<1x104x128xf32, #tpu.memory_space<vmem>>
      %dma_wait3A_522 = tpu.memref_squeeze %dma_wait3A_521 : memref<1x104x128xf32, #tpu.memory_space<vmem>> -> memref<104x128xf32, #tpu.memory_space<vmem>>
      %dma_wait3A_523 = arith.constant 0 : i32
      %dma_wait3A_524 = arith.constant 0 : i32
      %dma_wait3A_525 = tpu.memref_slice %arg2[%dma_wait3A_523, %dma_wait3A_524] : memref<1000000x128xf32, #tpu.memory_space<hbm>> -> memref<104x128xf32, #tpu.memory_space<hbm>>
      %dma_wait3A_526 = arith.constant 0 : i32
      %dma_wait3A_527 = arith.constant 0 : i32
      %dma_wait3A_528 = tpu.memref_slice %arg6[%dma_wait3A_518, %dma_wait3A_526, %dma_wait3A_527] : memref<4x104x128xf32, #tpu.memory_space<vmem>> -> memref<1x104x128xf32, #tpu.memory_space<vmem>>
      %dma_wait3A_529 = tpu.memref_squeeze %dma_wait3A_528 : memref<1x104x128xf32, #tpu.memory_space<vmem>> -> memref<104x128xf32, #tpu.memory_space<vmem>>
      %dma_wait3A_530 = arith.constant 0 : i32
      %dma_wait3A_531 = arith.constant 0 : i32
      %dma_wait3A_532 = tpu.memref_slice %arg2[%dma_wait3A_530, %dma_wait3A_531] : memref<1000000x128xf32, #tpu.memory_space<hbm>> -> memref<104x128xf32, #tpu.memory_space<hbm>>
      tpu.wait_dma2 semaphore(%arg8 : memref<!tpu.dma_semaphore, #tpu.memory_space<semaphore_mem>>) src(%dma_wait3A_532 : memref<104x128xf32, #tpu.memory_space<hbm>>) dst(%dma_wait3A_529 : memref<104x128xf32, #tpu.memory_space<vmem>>)
      %add3A_533 = arith.constant 1 : i32
      %add3A_534 = arith.addi %mul3A_412, %add3A_533 : i32
      %add3A_535 = arith.addi %mul3A_2, %add3A_534 : i32
      %mul3A_536 = arith.constant 2 : i32
      %mul3A_537 = arith.muli %add3A_535, %mul3A_536 : i32
      %dma_start3A_538 = arith.constant 1 : i32
      %dma_start3A_539 = arith.constant 0 : i32
      %dma_start3A_540 = arith.constant 0 : i32
      %dma_start3A_541 = tpu.memref_slice %arg6[%dma_start3A_538, %dma_start3A_539, %dma_start3A_540] : memref<4x104x128xf32, #tpu.memory_space<vmem>> -> memref<1x50x64xf32, #tpu.memory_space<vmem>>
      %dma_start3A_542 = tpu.memref_squeeze %dma_start3A_541 : memref<1x50x64xf32, #tpu.memory_space<vmem>> -> memref<50x64xf32, #tpu.memory_space<vmem>>
      %dma_start3A_543 = arith.constant 0 : i32
      %dma_start3A_544 = arith.constant 0 : i32
      %dma_start3A_545 = tpu.memref_slice %arg4[%mul3A_537, %dma_start3A_543, %dma_start3A_544] : memref<16384x56x128xf32, #tpu.memory_space<hbm>> -> memref<1x50x64xf32, #tpu.memory_space<hbm>>
      %dma_start3A_546 = tpu.memref_squeeze %dma_start3A_545 : memref<1x50x64xf32, #tpu.memory_space<hbm>> -> memref<50x64xf32, #tpu.memory_space<hbm>>
      %dma_start3A_547 = arith.constant 0 : i32
      %dma_start3A_548 = arith.constant 0 : i32
      %dma_start3A_549 = tpu.memref_slice %arg4[%mul3A_537, %dma_start3A_547, %dma_start3A_548] : memref<16384x56x128xf32, #tpu.memory_space<hbm>> -> memref<1x50x64xf32, #tpu.memory_space<hbm>>
      %dma_start3A_550 = tpu.memref_squeeze %dma_start3A_549 : memref<1x50x64xf32, #tpu.memory_space<hbm>> -> memref<50x64xf32, #tpu.memory_space<hbm>>
      %dma_start3A_551 = arith.constant 0 : i32
      %dma_start3A_552 = arith.constant 0 : i32
      %dma_start3A_553 = tpu.memref_slice %arg6[%dma_start3A_538, %dma_start3A_551, %dma_start3A_552] : memref<4x104x128xf32, #tpu.memory_space<vmem>> -> memref<1x50x64xf32, #tpu.memory_space<vmem>>
      %dma_start3A_554 = tpu.memref_squeeze %dma_start3A_553 : memref<1x50x64xf32, #tpu.memory_space<vmem>> -> memref<50x64xf32, #tpu.memory_space<vmem>>
      tpu.enqueue_dma source(%dma_start3A_554 : memref<50x64xf32, #tpu.memory_space<vmem>>) target(%dma_start3A_550 : memref<50x64xf32, #tpu.memory_space<hbm>>) target_semaphore(%arg12 : memref<!tpu.dma_semaphore, #tpu.memory_space<semaphore_mem>>)
      %add3A_555 = arith.constant 1 : i32
      %add3A_556 = arith.addi %mul3A_537, %add3A_555 : i32
      %dma_start3A_557 = arith.constant 1 : i32
      %dma_start3A_558 = arith.constant 50 : i32
      %dma_start3A_559 = arith.constant 0 : i32
      %dma_start3A_560 = tpu.memref_slice %arg6[%dma_start3A_557, %dma_start3A_558, %dma_start3A_559] : memref<4x104x128xf32, #tpu.memory_space<vmem>> -> memref<1x50x64xf32, #tpu.memory_space<vmem>>
      %dma_start3A_561 = tpu.memref_squeeze %dma_start3A_560 : memref<1x50x64xf32, #tpu.memory_space<vmem>> -> memref<50x64xf32, #tpu.memory_space<vmem>>
      %dma_start3A_562 = arith.constant 0 : i32
      %dma_start3A_563 = arith.constant 0 : i32
      %dma_start3A_564 = tpu.memref_slice %arg4[%add3A_556, %dma_start3A_562, %dma_start3A_563] : memref<16384x56x128xf32, #tpu.memory_space<hbm>> -> memref<1x50x64xf32, #tpu.memory_space<hbm>>
      %dma_start3A_565 = tpu.memref_squeeze %dma_start3A_564 : memref<1x50x64xf32, #tpu.memory_space<hbm>> -> memref<50x64xf32, #tpu.memory_space<hbm>>
      %dma_start3A_566 = arith.constant 0 : i32
      %dma_start3A_567 = arith.constant 0 : i32
      %dma_start3A_568 = tpu.memref_slice %arg4[%add3A_556, %dma_start3A_566, %dma_start3A_567] : memref<16384x56x128xf32, #tpu.memory_space<hbm>> -> memref<1x50x64xf32, #tpu.memory_space<hbm>>
      %dma_start3A_569 = tpu.memref_squeeze %dma_start3A_568 : memref<1x50x64xf32, #tpu.memory_space<hbm>> -> memref<50x64xf32, #tpu.memory_space<hbm>>
      %dma_start3A_570 = arith.constant 50 : i32
      %dma_start3A_571 = arith.constant 0 : i32
      %dma_start3A_572 = tpu.memref_slice %arg6[%dma_start3A_557, %dma_start3A_570, %dma_start3A_571] : memref<4x104x128xf32, #tpu.memory_space<vmem>> -> memref<1x50x64xf32, #tpu.memory_space<vmem>>
      %dma_start3A_573 = tpu.memref_squeeze %dma_start3A_572 : memref<1x50x64xf32, #tpu.memory_space<vmem>> -> memref<50x64xf32, #tpu.memory_space<vmem>>
      tpu.enqueue_dma source(%dma_start3A_573 : memref<50x64xf32, #tpu.memory_space<vmem>>) target(%dma_start3A_569 : memref<50x64xf32, #tpu.memory_space<hbm>>) target_semaphore(%arg12 : memref<!tpu.dma_semaphore, #tpu.memory_space<semaphore_mem>>)
      %dma_wait3A_574 = arith.constant 1 : i32
      %dma_wait3A_575 = arith.constant 0 : i32
      %dma_wait3A_576 = arith.constant 0 : i32
      %dma_wait3A_577 = tpu.memref_slice %arg6[%dma_wait3A_574, %dma_wait3A_575, %dma_wait3A_576] : memref<4x104x128xf32, #tpu.memory_space<vmem>> -> memref<1x50x64xf32, #tpu.memory_space<vmem>>
      %dma_wait3A_578 = tpu.memref_squeeze %dma_wait3A_577 : memref<1x50x64xf32, #tpu.memory_space<vmem>> -> memref<50x64xf32, #tpu.memory_space<vmem>>
      %dma_wait3A_579 = arith.constant 0 : i32
      %dma_wait3A_580 = arith.constant 0 : i32
      %dma_wait3A_581 = tpu.memref_slice %arg4[%mul3A_537, %dma_wait3A_579, %dma_wait3A_580] : memref<16384x56x128xf32, #tpu.memory_space<hbm>> -> memref<1x50x64xf32, #tpu.memory_space<hbm>>
      %dma_wait3A_582 = tpu.memref_squeeze %dma_wait3A_581 : memref<1x50x64xf32, #tpu.memory_space<hbm>> -> memref<50x64xf32, #tpu.memory_space<hbm>>
      %dma_wait3A_583 = arith.constant 0 : i32
      %dma_wait3A_584 = arith.constant 0 : i32
      %dma_wait3A_585 = tpu.memref_slice %arg4[%mul3A_537, %dma_wait3A_583, %dma_wait3A_584] : memref<16384x56x128xf32, #tpu.memory_space<hbm>> -> memref<1x50x64xf32, #tpu.memory_space<hbm>>
      %dma_wait3A_586 = tpu.memref_squeeze %dma_wait3A_585 : memref<1x50x64xf32, #tpu.memory_space<hbm>> -> memref<50x64xf32, #tpu.memory_space<hbm>>
      %dma_wait3A_587 = arith.constant 0 : i32
      %dma_wait3A_588 = arith.constant 0 : i32
      %dma_wait3A_589 = tpu.memref_slice %arg6[%dma_wait3A_574, %dma_wait3A_587, %dma_wait3A_588] : memref<4x104x128xf32, #tpu.memory_space<vmem>> -> memref<1x50x64xf32, #tpu.memory_space<vmem>>
      %dma_wait3A_590 = tpu.memref_squeeze %dma_wait3A_589 : memref<1x50x64xf32, #tpu.memory_space<vmem>> -> memref<50x64xf32, #tpu.memory_space<vmem>>
      tpu.wait_dma2 semaphore(%arg12 : memref<!tpu.dma_semaphore, #tpu.memory_space<semaphore_mem>>) src(%dma_wait3A_590 : memref<50x64xf32, #tpu.memory_space<vmem>>) dst(%dma_wait3A_586 : memref<50x64xf32, #tpu.memory_space<hbm>>)
      %dma_wait3A_591 = arith.constant 1 : i32
      %dma_wait3A_592 = arith.constant 50 : i32
      %dma_wait3A_593 = arith.constant 0 : i32
      %dma_wait3A_594 = tpu.memref_slice %arg6[%dma_wait3A_591, %dma_wait3A_592, %dma_wait3A_593] : memref<4x104x128xf32, #tpu.memory_space<vmem>> -> memref<1x50x64xf32, #tpu.memory_space<vmem>>
      %dma_wait3A_595 = tpu.memref_squeeze %dma_wait3A_594 : memref<1x50x64xf32, #tpu.memory_space<vmem>> -> memref<50x64xf32, #tpu.memory_space<vmem>>
      %dma_wait3A_596 = arith.constant 0 : i32
      %dma_wait3A_597 = arith.constant 0 : i32
      %dma_wait3A_598 = tpu.memref_slice %arg4[%add3A_556, %dma_wait3A_596, %dma_wait3A_597] : memref<16384x56x128xf32, #tpu.memory_space<hbm>> -> memref<1x50x64xf32, #tpu.memory_space<hbm>>
      %dma_wait3A_599 = tpu.memref_squeeze %dma_wait3A_598 : memref<1x50x64xf32, #tpu.memory_space<hbm>> -> memref<50x64xf32, #tpu.memory_space<hbm>>
      %dma_wait3A_600 = arith.constant 0 : i32
      %dma_wait3A_601 = arith.constant 0 : i32
      %dma_wait3A_602 = tpu.memref_slice %arg4[%add3A_556, %dma_wait3A_600, %dma_wait3A_601] : memref<16384x56x128xf32, #tpu.memory_space<hbm>> -> memref<1x50x64xf32, #tpu.memory_space<hbm>>
      %dma_wait3A_603 = tpu.memref_squeeze %dma_wait3A_602 : memref<1x50x64xf32, #tpu.memory_space<hbm>> -> memref<50x64xf32, #tpu.memory_space<hbm>>
      %dma_wait3A_604 = arith.constant 50 : i32
      %dma_wait3A_605 = arith.constant 0 : i32
      %dma_wait3A_606 = tpu.memref_slice %arg6[%dma_wait3A_591, %dma_wait3A_604, %dma_wait3A_605] : memref<4x104x128xf32, #tpu.memory_space<vmem>> -> memref<1x50x64xf32, #tpu.memory_space<vmem>>
      %dma_wait3A_607 = tpu.memref_squeeze %dma_wait3A_606 : memref<1x50x64xf32, #tpu.memory_space<vmem>> -> memref<50x64xf32, #tpu.memory_space<vmem>>
      tpu.wait_dma2 semaphore(%arg12 : memref<!tpu.dma_semaphore, #tpu.memory_space<semaphore_mem>>) src(%dma_wait3A_607 : memref<50x64xf32, #tpu.memory_space<vmem>>) dst(%dma_wait3A_603 : memref<50x64xf32, #tpu.memory_space<hbm>>)
      %add3A_608 = arith.constant 1 : i32
      %add3A_609 = arith.addi %mul3A_412, %add3A_608 : i32
      %add3A_610 = arith.constant 4 : i32
      %add3A_611 = arith.addi %add3A_609, %add3A_610 : i32
      %dma_start3A_612 = arith.constant 1 : i32
      %dma_start3A_613 = arith.constant 0 : i32
      %dma_start3A_614 = arith.constant 0 : i32
      %dma_start3A_615 = tpu.memref_slice %arg6[%dma_start3A_612, %dma_start3A_613, %dma_start3A_614] : memref<4x104x128xf32, #tpu.memory_space<vmem>> -> memref<1x104x128xf32, #tpu.memory_space<vmem>>
      %dma_start3A_616 = tpu.memref_squeeze %dma_start3A_615 : memref<1x104x128xf32, #tpu.memory_space<vmem>> -> memref<104x128xf32, #tpu.memory_space<vmem>>
      %dma_start3A_617 = arith.constant 0 : i32
      %dma_start3A_618 = tpu.memref_slice %arg5[%add3A_611, %dma_start3A_617] : memref<256x128xi32, #tpu.memory_space<vmem>> -> memref<1x104xi32, #tpu.memory_space<vmem>>
      %dma_start3A_619 = tpu.memref_squeeze %dma_start3A_618 : memref<1x104xi32, #tpu.memory_space<vmem>> -> memref<104xi32, #tpu.memory_space<vmem>>
      %dma_start3A_620 = arith.constant 0 : i32
      %dma_start3A_621 = arith.constant 0 : i32
      %dma_start3A_622 = tpu.memref_slice %arg2[%dma_start3A_620, %dma_start3A_621] : memref<1000000x128xf32, #tpu.memory_space<hbm>> -> memref<1000000x128xf32, #tpu.memory_space<hbm>>
      tpu.enqueue_indirect_dma source(%dma_start3A_622 : memref<1000000x128xf32, #tpu.memory_space<hbm>>) target(%dma_start3A_616 : memref<104x128xf32, #tpu.memory_space<vmem>>) offsets(%dma_start3A_619 : memref<104xi32, #tpu.memory_space<vmem>>) semaphore(%arg8 : memref<!tpu.dma_semaphore, #tpu.memory_space<semaphore_mem>>)
      %dma_wait3A_623 = arith.constant 2 : i32
      %dma_wait3A_624 = arith.constant 0 : i32
      %dma_wait3A_625 = arith.constant 0 : i32
      %dma_wait3A_626 = tpu.memref_slice %arg6[%dma_wait3A_623, %dma_wait3A_624, %dma_wait3A_625] : memref<4x104x128xf32, #tpu.memory_space<vmem>> -> memref<1x104x128xf32, #tpu.memory_space<vmem>>
      %dma_wait3A_627 = tpu.memref_squeeze %dma_wait3A_626 : memref<1x104x128xf32, #tpu.memory_space<vmem>> -> memref<104x128xf32, #tpu.memory_space<vmem>>
      %dma_wait3A_628 = arith.constant 0 : i32
      %dma_wait3A_629 = arith.constant 0 : i32
      %dma_wait3A_630 = tpu.memref_slice %arg2[%dma_wait3A_628, %dma_wait3A_629] : memref<1000000x128xf32, #tpu.memory_space<hbm>> -> memref<104x128xf32, #tpu.memory_space<hbm>>
      %dma_wait3A_631 = arith.constant 0 : i32
      %dma_wait3A_632 = arith.constant 0 : i32
      %dma_wait3A_633 = tpu.memref_slice %arg6[%dma_wait3A_623, %dma_wait3A_631, %dma_wait3A_632] : memref<4x104x128xf32, #tpu.memory_space<vmem>> -> memref<1x104x128xf32, #tpu.memory_space<vmem>>
      %dma_wait3A_634 = tpu.memref_squeeze %dma_wait3A_633 : memref<1x104x128xf32, #tpu.memory_space<vmem>> -> memref<104x128xf32, #tpu.memory_space<vmem>>
      %dma_wait3A_635 = arith.constant 0 : i32
      %dma_wait3A_636 = arith.constant 0 : i32
      %dma_wait3A_637 = tpu.memref_slice %arg2[%dma_wait3A_635, %dma_wait3A_636] : memref<1000000x128xf32, #tpu.memory_space<hbm>> -> memref<104x128xf32, #tpu.memory_space<hbm>>
      tpu.wait_dma2 semaphore(%arg9 : memref<!tpu.dma_semaphore, #tpu.memory_space<semaphore_mem>>) src(%dma_wait3A_637 : memref<104x128xf32, #tpu.memory_space<hbm>>) dst(%dma_wait3A_634 : memref<104x128xf32, #tpu.memory_space<vmem>>)
      %add3A_638 = arith.constant 2 : i32
      %add3A_639 = arith.addi %mul3A_412, %add3A_638 : i32
      %add3A_640 = arith.addi %mul3A_2, %add3A_639 : i32
      %mul3A_641 = arith.constant 2 : i32
      %mul3A_642 = arith.muli %add3A_640, %mul3A_641 : i32
      %dma_start3A_643 = arith.constant 2 : i32
      %dma_start3A_644 = arith.constant 0 : i32
      %dma_start3A_645 = arith.constant 0 : i32
      %dma_start3A_646 = tpu.memref_slice %arg6[%dma_start3A_643, %dma_start3A_644, %dma_start3A_645] : memref<4x104x128xf32, #tpu.memory_space<vmem>> -> memref<1x50x64xf32, #tpu.memory_space<vmem>>
      %dma_start3A_647 = tpu.memref_squeeze %dma_start3A_646 : memref<1x50x64xf32, #tpu.memory_space<vmem>> -> memref<50x64xf32, #tpu.memory_space<vmem>>
      %dma_start3A_648 = arith.constant 0 : i32
      %dma_start3A_649 = arith.constant 0 : i32
      %dma_start3A_650 = tpu.memref_slice %arg4[%mul3A_642, %dma_start3A_648, %dma_start3A_649] : memref<16384x56x128xf32, #tpu.memory_space<hbm>> -> memref<1x50x64xf32, #tpu.memory_space<hbm>>
      %dma_start3A_651 = tpu.memref_squeeze %dma_start3A_650 : memref<1x50x64xf32, #tpu.memory_space<hbm>> -> memref<50x64xf32, #tpu.memory_space<hbm>>
      %dma_start3A_652 = arith.constant 0 : i32
      %dma_start3A_653 = arith.constant 0 : i32
      %dma_start3A_654 = tpu.memref_slice %arg4[%mul3A_642, %dma_start3A_652, %dma_start3A_653] : memref<16384x56x128xf32, #tpu.memory_space<hbm>> -> memref<1x50x64xf32, #tpu.memory_space<hbm>>
      %dma_start3A_655 = tpu.memref_squeeze %dma_start3A_654 : memref<1x50x64xf32, #tpu.memory_space<hbm>> -> memref<50x64xf32, #tpu.memory_space<hbm>>
      %dma_start3A_656 = arith.constant 0 : i32
      %dma_start3A_657 = arith.constant 0 : i32
      %dma_start3A_658 = tpu.memref_slice %arg6[%dma_start3A_643, %dma_start3A_656, %dma_start3A_657] : memref<4x104x128xf32, #tpu.memory_space<vmem>> -> memref<1x50x64xf32, #tpu.memory_space<vmem>>
      %dma_start3A_659 = tpu.memref_squeeze %dma_start3A_658 : memref<1x50x64xf32, #tpu.memory_space<vmem>> -> memref<50x64xf32, #tpu.memory_space<vmem>>
      tpu.enqueue_dma source(%dma_start3A_659 : memref<50x64xf32, #tpu.memory_space<vmem>>) target(%dma_start3A_655 : memref<50x64xf32, #tpu.memory_space<hbm>>) target_semaphore(%arg13 : memref<!tpu.dma_semaphore, #tpu.memory_space<semaphore_mem>>)
      %add3A_660 = arith.constant 1 : i32
      %add3A_661 = arith.addi %mul3A_642, %add3A_660 : i32
      %dma_start3A_662 = arith.constant 2 : i32
      %dma_start3A_663 = arith.constant 50 : i32
      %dma_start3A_664 = arith.constant 0 : i32
      %dma_start3A_665 = tpu.memref_slice %arg6[%dma_start3A_662, %dma_start3A_663, %dma_start3A_664] : memref<4x104x128xf32, #tpu.memory_space<vmem>> -> memref<1x50x64xf32, #tpu.memory_space<vmem>>
      %dma_start3A_666 = tpu.memref_squeeze %dma_start3A_665 : memref<1x50x64xf32, #tpu.memory_space<vmem>> -> memref<50x64xf32, #tpu.memory_space<vmem>>
      %dma_start3A_667 = arith.constant 0 : i32
      %dma_start3A_668 = arith.constant 0 : i32
      %dma_start3A_669 = tpu.memref_slice %arg4[%add3A_661, %dma_start3A_667, %dma_start3A_668] : memref<16384x56x128xf32, #tpu.memory_space<hbm>> -> memref<1x50x64xf32, #tpu.memory_space<hbm>>
      %dma_start3A_670 = tpu.memref_squeeze %dma_start3A_669 : memref<1x50x64xf32, #tpu.memory_space<hbm>> -> memref<50x64xf32, #tpu.memory_space<hbm>>
      %dma_start3A_671 = arith.constant 0 : i32
      %dma_start3A_672 = arith.constant 0 : i32
      %dma_start3A_673 = tpu.memref_slice %arg4[%add3A_661, %dma_start3A_671, %dma_start3A_672] : memref<16384x56x128xf32, #tpu.memory_space<hbm>> -> memref<1x50x64xf32, #tpu.memory_space<hbm>>
      %dma_start3A_674 = tpu.memref_squeeze %dma_start3A_673 : memref<1x50x64xf32, #tpu.memory_space<hbm>> -> memref<50x64xf32, #tpu.memory_space<hbm>>
      %dma_start3A_675 = arith.constant 50 : i32
      %dma_start3A_676 = arith.constant 0 : i32
      %dma_start3A_677 = tpu.memref_slice %arg6[%dma_start3A_662, %dma_start3A_675, %dma_start3A_676] : memref<4x104x128xf32, #tpu.memory_space<vmem>> -> memref<1x50x64xf32, #tpu.memory_space<vmem>>
      %dma_start3A_678 = tpu.memref_squeeze %dma_start3A_677 : memref<1x50x64xf32, #tpu.memory_space<vmem>> -> memref<50x64xf32, #tpu.memory_space<vmem>>
      tpu.enqueue_dma source(%dma_start3A_678 : memref<50x64xf32, #tpu.memory_space<vmem>>) target(%dma_start3A_674 : memref<50x64xf32, #tpu.memory_space<hbm>>) target_semaphore(%arg13 : memref<!tpu.dma_semaphore, #tpu.memory_space<semaphore_mem>>)
      %dma_wait3A_679 = arith.constant 2 : i32
      %dma_wait3A_680 = arith.constant 0 : i32
      %dma_wait3A_681 = arith.constant 0 : i32
      %dma_wait3A_682 = tpu.memref_slice %arg6[%dma_wait3A_679, %dma_wait3A_680, %dma_wait3A_681] : memref<4x104x128xf32, #tpu.memory_space<vmem>> -> memref<1x50x64xf32, #tpu.memory_space<vmem>>
      %dma_wait3A_683 = tpu.memref_squeeze %dma_wait3A_682 : memref<1x50x64xf32, #tpu.memory_space<vmem>> -> memref<50x64xf32, #tpu.memory_space<vmem>>
      %dma_wait3A_684 = arith.constant 0 : i32
      %dma_wait3A_685 = arith.constant 0 : i32
      %dma_wait3A_686 = tpu.memref_slice %arg4[%mul3A_642, %dma_wait3A_684, %dma_wait3A_685] : memref<16384x56x128xf32, #tpu.memory_space<hbm>> -> memref<1x50x64xf32, #tpu.memory_space<hbm>>
      %dma_wait3A_687 = tpu.memref_squeeze %dma_wait3A_686 : memref<1x50x64xf32, #tpu.memory_space<hbm>> -> memref<50x64xf32, #tpu.memory_space<hbm>>
      %dma_wait3A_688 = arith.constant 0 : i32
      %dma_wait3A_689 = arith.constant 0 : i32
      %dma_wait3A_690 = tpu.memref_slice %arg4[%mul3A_642, %dma_wait3A_688, %dma_wait3A_689] : memref<16384x56x128xf32, #tpu.memory_space<hbm>> -> memref<1x50x64xf32, #tpu.memory_space<hbm>>
      %dma_wait3A_691 = tpu.memref_squeeze %dma_wait3A_690 : memref<1x50x64xf32, #tpu.memory_space<hbm>> -> memref<50x64xf32, #tpu.memory_space<hbm>>
      %dma_wait3A_692 = arith.constant 0 : i32
      %dma_wait3A_693 = arith.constant 0 : i32
      %dma_wait3A_694 = tpu.memref_slice %arg6[%dma_wait3A_679, %dma_wait3A_692, %dma_wait3A_693] : memref<4x104x128xf32, #tpu.memory_space<vmem>> -> memref<1x50x64xf32, #tpu.memory_space<vmem>>
      %dma_wait3A_695 = tpu.memref_squeeze %dma_wait3A_694 : memref<1x50x64xf32, #tpu.memory_space<vmem>> -> memref<50x64xf32, #tpu.memory_space<vmem>>
      tpu.wait_dma2 semaphore(%arg13 : memref<!tpu.dma_semaphore, #tpu.memory_space<semaphore_mem>>) src(%dma_wait3A_695 : memref<50x64xf32, #tpu.memory_space<vmem>>) dst(%dma_wait3A_691 : memref<50x64xf32, #tpu.memory_space<hbm>>)
      %dma_wait3A_696 = arith.constant 2 : i32
      %dma_wait3A_697 = arith.constant 50 : i32
      %dma_wait3A_698 = arith.constant 0 : i32
      %dma_wait3A_699 = tpu.memref_slice %arg6[%dma_wait3A_696, %dma_wait3A_697, %dma_wait3A_698] : memref<4x104x128xf32, #tpu.memory_space<vmem>> -> memref<1x50x64xf32, #tpu.memory_space<vmem>>
      %dma_wait3A_700 = tpu.memref_squeeze %dma_wait3A_699 : memref<1x50x64xf32, #tpu.memory_space<vmem>> -> memref<50x64xf32, #tpu.memory_space<vmem>>
      %dma_wait3A_701 = arith.constant 0 : i32
      %dma_wait3A_702 = arith.constant 0 : i32
      %dma_wait3A_703 = tpu.memref_slice %arg4[%add3A_661, %dma_wait3A_701, %dma_wait3A_702] : memref<16384x56x128xf32, #tpu.memory_space<hbm>> -> memref<1x50x64xf32, #tpu.memory_space<hbm>>
      %dma_wait3A_704 = tpu.memref_squeeze %dma_wait3A_703 : memref<1x50x64xf32, #tpu.memory_space<hbm>> -> memref<50x64xf32, #tpu.memory_space<hbm>>
      %dma_wait3A_705 = arith.constant 0 : i32
      %dma_wait3A_706 = arith.constant 0 : i32
      %dma_wait3A_707 = tpu.memref_slice %arg4[%add3A_661, %dma_wait3A_705, %dma_wait3A_706] : memref<16384x56x128xf32, #tpu.memory_space<hbm>> -> memref<1x50x64xf32, #tpu.memory_space<hbm>>
      %dma_wait3A_708 = tpu.memref_squeeze %dma_wait3A_707 : memref<1x50x64xf32, #tpu.memory_space<hbm>> -> memref<50x64xf32, #tpu.memory_space<hbm>>
      %dma_wait3A_709 = arith.constant 50 : i32
      %dma_wait3A_710 = arith.constant 0 : i32
      %dma_wait3A_711 = tpu.memref_slice %arg6[%dma_wait3A_696, %dma_wait3A_709, %dma_wait3A_710] : memref<4x104x128xf32, #tpu.memory_space<vmem>> -> memref<1x50x64xf32, #tpu.memory_space<vmem>>
      %dma_wait3A_712 = tpu.memref_squeeze %dma_wait3A_711 : memref<1x50x64xf32, #tpu.memory_space<vmem>> -> memref<50x64xf32, #tpu.memory_space<vmem>>
      tpu.wait_dma2 semaphore(%arg13 : memref<!tpu.dma_semaphore, #tpu.memory_space<semaphore_mem>>) src(%dma_wait3A_712 : memref<50x64xf32, #tpu.memory_space<vmem>>) dst(%dma_wait3A_708 : memref<50x64xf32, #tpu.memory_space<hbm>>)
      %add3A_713 = arith.constant 2 : i32
      %add3A_714 = arith.addi %mul3A_412, %add3A_713 : i32
      %add3A_715 = arith.constant 4 : i32
      %add3A_716 = arith.addi %add3A_714, %add3A_715 : i32
      %dma_start3A_717 = arith.constant 2 : i32
      %dma_start3A_718 = arith.constant 0 : i32
      %dma_start3A_719 = arith.constant 0 : i32
      %dma_start3A_720 = tpu.memref_slice %arg6[%dma_start3A_717, %dma_start3A_718, %dma_start3A_719] : memref<4x104x128xf32, #tpu.memory_space<vmem>> -> memref<1x104x128xf32, #tpu.memory_space<vmem>>
      %dma_start3A_721 = tpu.memref_squeeze %dma_start3A_720 : memref<1x104x128xf32, #tpu.memory_space<vmem>> -> memref<104x128xf32, #tpu.memory_space<vmem>>
      %dma_start3A_722 = arith.constant 0 : i32
      %dma_start3A_723 = tpu.memref_slice %arg5[%add3A_716, %dma_start3A_722] : memref<256x128xi32, #tpu.memory_space<vmem>> -> memref<1x104xi32, #tpu.memory_space<vmem>>
      %dma_start3A_724 = tpu.memref_squeeze %dma_start3A_723 : memref<1x104xi32, #tpu.memory_space<vmem>> -> memref<104xi32, #tpu.memory_space<vmem>>
      %dma_start3A_725 = arith.constant 0 : i32
      %dma_start3A_726 = arith.constant 0 : i32
      %dma_start3A_727 = tpu.memref_slice %arg2[%dma_start3A_725, %dma_start3A_726] : memref<1000000x128xf32, #tpu.memory_space<hbm>> -> memref<1000000x128xf32, #tpu.memory_space<hbm>>
      tpu.enqueue_indirect_dma source(%dma_start3A_727 : memref<1000000x128xf32, #tpu.memory_space<hbm>>) target(%dma_start3A_721 : memref<104x128xf32, #tpu.memory_space<vmem>>) offsets(%dma_start3A_724 : memref<104xi32, #tpu.memory_space<vmem>>) semaphore(%arg9 : memref<!tpu.dma_semaphore, #tpu.memory_space<semaphore_mem>>)
      %dma_wait3A_728 = arith.constant 3 : i32
      %dma_wait3A_729 = arith.constant 0 : i32
      %dma_wait3A_730 = arith.constant 0 : i32
      %dma_wait3A_731 = tpu.memref_slice %arg6[%dma_wait3A_728, %dma_wait3A_729, %dma_wait3A_730] : memref<4x104x128xf32, #tpu.memory_space<vmem>> -> memref<1x104x128xf32, #tpu.memory_space<vmem>>
      %dma_wait3A_732 = tpu.memref_squeeze %dma_wait3A_731 : memref<1x104x128xf32, #tpu.memory_space<vmem>> -> memref<104x128xf32, #tpu.memory_space<vmem>>
      %dma_wait3A_733 = arith.constant 0 : i32
      %dma_wait3A_734 = arith.constant 0 : i32
      %dma_wait3A_735 = tpu.memref_slice %arg2[%dma_wait3A_733, %dma_wait3A_734] : memref<1000000x128xf32, #tpu.memory_space<hbm>> -> memref<104x128xf32, #tpu.memory_space<hbm>>
      %dma_wait3A_736 = arith.constant 0 : i32
      %dma_wait3A_737 = arith.constant 0 : i32
      %dma_wait3A_738 = tpu.memref_slice %arg6[%dma_wait3A_728, %dma_wait3A_736, %dma_wait3A_737] : memref<4x104x128xf32, #tpu.memory_space<vmem>> -> memref<1x104x128xf32, #tpu.memory_space<vmem>>
      %dma_wait3A_739 = tpu.memref_squeeze %dma_wait3A_738 : memref<1x104x128xf32, #tpu.memory_space<vmem>> -> memref<104x128xf32, #tpu.memory_space<vmem>>
      %dma_wait3A_740 = arith.constant 0 : i32
      %dma_wait3A_741 = arith.constant 0 : i32
      %dma_wait3A_742 = tpu.memref_slice %arg2[%dma_wait3A_740, %dma_wait3A_741] : memref<1000000x128xf32, #tpu.memory_space<hbm>> -> memref<104x128xf32, #tpu.memory_space<hbm>>
      tpu.wait_dma2 semaphore(%arg10 : memref<!tpu.dma_semaphore, #tpu.memory_space<semaphore_mem>>) src(%dma_wait3A_742 : memref<104x128xf32, #tpu.memory_space<hbm>>) dst(%dma_wait3A_739 : memref<104x128xf32, #tpu.memory_space<vmem>>)
      %add3A_743 = arith.constant 3 : i32
      %add3A_744 = arith.addi %mul3A_412, %add3A_743 : i32
      %add3A_745 = arith.addi %mul3A_2, %add3A_744 : i32
      %mul3A_746 = arith.constant 2 : i32
      %mul3A_747 = arith.muli %add3A_745, %mul3A_746 : i32
      %dma_start3A_748 = arith.constant 3 : i32
      %dma_start3A_749 = arith.constant 0 : i32
      %dma_start3A_750 = arith.constant 0 : i32
      %dma_start3A_751 = tpu.memref_slice %arg6[%dma_start3A_748, %dma_start3A_749, %dma_start3A_750] : memref<4x104x128xf32, #tpu.memory_space<vmem>> -> memref<1x50x64xf32, #tpu.memory_space<vmem>>
      %dma_start3A_752 = tpu.memref_squeeze %dma_start3A_751 : memref<1x50x64xf32, #tpu.memory_space<vmem>> -> memref<50x64xf32, #tpu.memory_space<vmem>>
      %dma_start3A_753 = arith.constant 0 : i32
      %dma_start3A_754 = arith.constant 0 : i32
      %dma_start3A_755 = tpu.memref_slice %arg4[%mul3A_747, %dma_start3A_753, %dma_start3A_754] : memref<16384x56x128xf32, #tpu.memory_space<hbm>> -> memref<1x50x64xf32, #tpu.memory_space<hbm>>
      %dma_start3A_756 = tpu.memref_squeeze %dma_start3A_755 : memref<1x50x64xf32, #tpu.memory_space<hbm>> -> memref<50x64xf32, #tpu.memory_space<hbm>>
      %dma_start3A_757 = arith.constant 0 : i32
      %dma_start3A_758 = arith.constant 0 : i32
      %dma_start3A_759 = tpu.memref_slice %arg4[%mul3A_747, %dma_start3A_757, %dma_start3A_758] : memref<16384x56x128xf32, #tpu.memory_space<hbm>> -> memref<1x50x64xf32, #tpu.memory_space<hbm>>
      %dma_start3A_760 = tpu.memref_squeeze %dma_start3A_759 : memref<1x50x64xf32, #tpu.memory_space<hbm>> -> memref<50x64xf32, #tpu.memory_space<hbm>>
      %dma_start3A_761 = arith.constant 0 : i32
      %dma_start3A_762 = arith.constant 0 : i32
      %dma_start3A_763 = tpu.memref_slice %arg6[%dma_start3A_748, %dma_start3A_761, %dma_start3A_762] : memref<4x104x128xf32, #tpu.memory_space<vmem>> -> memref<1x50x64xf32, #tpu.memory_space<vmem>>
      %dma_start3A_764 = tpu.memref_squeeze %dma_start3A_763 : memref<1x50x64xf32, #tpu.memory_space<vmem>> -> memref<50x64xf32, #tpu.memory_space<vmem>>
      tpu.enqueue_dma source(%dma_start3A_764 : memref<50x64xf32, #tpu.memory_space<vmem>>) target(%dma_start3A_760 : memref<50x64xf32, #tpu.memory_space<hbm>>) target_semaphore(%arg14 : memref<!tpu.dma_semaphore, #tpu.memory_space<semaphore_mem>>)
      %add3A_765 = arith.constant 1 : i32
      %add3A_766 = arith.addi %mul3A_747, %add3A_765 : i32
      %dma_start3A_767 = arith.constant 3 : i32
      %dma_start3A_768 = arith.constant 50 : i32
      %dma_start3A_769 = arith.constant 0 : i32
      %dma_start3A_770 = tpu.memref_slice %arg6[%dma_start3A_767, %dma_start3A_768, %dma_start3A_769] : memref<4x104x128xf32, #tpu.memory_space<vmem>> -> memref<1x50x64xf32, #tpu.memory_space<vmem>>
      %dma_start3A_771 = tpu.memref_squeeze %dma_start3A_770 : memref<1x50x64xf32, #tpu.memory_space<vmem>> -> memref<50x64xf32, #tpu.memory_space<vmem>>
      %dma_start3A_772 = arith.constant 0 : i32
      %dma_start3A_773 = arith.constant 0 : i32
      %dma_start3A_774 = tpu.memref_slice %arg4[%add3A_766, %dma_start3A_772, %dma_start3A_773] : memref<16384x56x128xf32, #tpu.memory_space<hbm>> -> memref<1x50x64xf32, #tpu.memory_space<hbm>>
      %dma_start3A_775 = tpu.memref_squeeze %dma_start3A_774 : memref<1x50x64xf32, #tpu.memory_space<hbm>> -> memref<50x64xf32, #tpu.memory_space<hbm>>
      %dma_start3A_776 = arith.constant 0 : i32
      %dma_start3A_777 = arith.constant 0 : i32
      %dma_start3A_778 = tpu.memref_slice %arg4[%add3A_766, %dma_start3A_776, %dma_start3A_777] : memref<16384x56x128xf32, #tpu.memory_space<hbm>> -> memref<1x50x64xf32, #tpu.memory_space<hbm>>
      %dma_start3A_779 = tpu.memref_squeeze %dma_start3A_778 : memref<1x50x64xf32, #tpu.memory_space<hbm>> -> memref<50x64xf32, #tpu.memory_space<hbm>>
      %dma_start3A_780 = arith.constant 50 : i32
      %dma_start3A_781 = arith.constant 0 : i32
      %dma_start3A_782 = tpu.memref_slice %arg6[%dma_start3A_767, %dma_start3A_780, %dma_start3A_781] : memref<4x104x128xf32, #tpu.memory_space<vmem>> -> memref<1x50x64xf32, #tpu.memory_space<vmem>>
      %dma_start3A_783 = tpu.memref_squeeze %dma_start3A_782 : memref<1x50x64xf32, #tpu.memory_space<vmem>> -> memref<50x64xf32, #tpu.memory_space<vmem>>
      tpu.enqueue_dma source(%dma_start3A_783 : memref<50x64xf32, #tpu.memory_space<vmem>>) target(%dma_start3A_779 : memref<50x64xf32, #tpu.memory_space<hbm>>) target_semaphore(%arg14 : memref<!tpu.dma_semaphore, #tpu.memory_space<semaphore_mem>>)
      %dma_wait3A_784 = arith.constant 3 : i32
      %dma_wait3A_785 = arith.constant 0 : i32
      %dma_wait3A_786 = arith.constant 0 : i32
      %dma_wait3A_787 = tpu.memref_slice %arg6[%dma_wait3A_784, %dma_wait3A_785, %dma_wait3A_786] : memref<4x104x128xf32, #tpu.memory_space<vmem>> -> memref<1x50x64xf32, #tpu.memory_space<vmem>>
      %dma_wait3A_788 = tpu.memref_squeeze %dma_wait3A_787 : memref<1x50x64xf32, #tpu.memory_space<vmem>> -> memref<50x64xf32, #tpu.memory_space<vmem>>
      %dma_wait3A_789 = arith.constant 0 : i32
      %dma_wait3A_790 = arith.constant 0 : i32
      %dma_wait3A_791 = tpu.memref_slice %arg4[%mul3A_747, %dma_wait3A_789, %dma_wait3A_790] : memref<16384x56x128xf32, #tpu.memory_space<hbm>> -> memref<1x50x64xf32, #tpu.memory_space<hbm>>
      %dma_wait3A_792 = tpu.memref_squeeze %dma_wait3A_791 : memref<1x50x64xf32, #tpu.memory_space<hbm>> -> memref<50x64xf32, #tpu.memory_space<hbm>>
      %dma_wait3A_793 = arith.constant 0 : i32
      %dma_wait3A_794 = arith.constant 0 : i32
      %dma_wait3A_795 = tpu.memref_slice %arg4[%mul3A_747, %dma_wait3A_793, %dma_wait3A_794] : memref<16384x56x128xf32, #tpu.memory_space<hbm>> -> memref<1x50x64xf32, #tpu.memory_space<hbm>>
      %dma_wait3A_796 = tpu.memref_squeeze %dma_wait3A_795 : memref<1x50x64xf32, #tpu.memory_space<hbm>> -> memref<50x64xf32, #tpu.memory_space<hbm>>
      %dma_wait3A_797 = arith.constant 0 : i32
      %dma_wait3A_798 = arith.constant 0 : i32
      %dma_wait3A_799 = tpu.memref_slice %arg6[%dma_wait3A_784, %dma_wait3A_797, %dma_wait3A_798] : memref<4x104x128xf32, #tpu.memory_space<vmem>> -> memref<1x50x64xf32, #tpu.memory_space<vmem>>
      %dma_wait3A_800 = tpu.memref_squeeze %dma_wait3A_799 : memref<1x50x64xf32, #tpu.memory_space<vmem>> -> memref<50x64xf32, #tpu.memory_space<vmem>>
      tpu.wait_dma2 semaphore(%arg14 : memref<!tpu.dma_semaphore, #tpu.memory_space<semaphore_mem>>) src(%dma_wait3A_800 : memref<50x64xf32, #tpu.memory_space<vmem>>) dst(%dma_wait3A_796 : memref<50x64xf32, #tpu.memory_space<hbm>>)
      %dma_wait3A_801 = arith.constant 3 : i32
      %dma_wait3A_802 = arith.constant 50 : i32
      %dma_wait3A_803 = arith.constant 0 : i32
      %dma_wait3A_804 = tpu.memref_slice %arg6[%dma_wait3A_801, %dma_wait3A_802, %dma_wait3A_803] : memref<4x104x128xf32, #tpu.memory_space<vmem>> -> memref<1x50x64xf32, #tpu.memory_space<vmem>>
      %dma_wait3A_805 = tpu.memref_squeeze %dma_wait3A_804 : memref<1x50x64xf32, #tpu.memory_space<vmem>> -> memref<50x64xf32, #tpu.memory_space<vmem>>
      %dma_wait3A_806 = arith.constant 0 : i32
      %dma_wait3A_807 = arith.constant 0 : i32
      %dma_wait3A_808 = tpu.memref_slice %arg4[%add3A_766, %dma_wait3A_806, %dma_wait3A_807] : memref<16384x56x128xf32, #tpu.memory_space<hbm>> -> memref<1x50x64xf32, #tpu.memory_space<hbm>>
      %dma_wait3A_809 = tpu.memref_squeeze %dma_wait3A_808 : memref<1x50x64xf32, #tpu.memory_space<hbm>> -> memref<50x64xf32, #tpu.memory_space<hbm>>
      %dma_wait3A_810 = arith.constant 0 : i32
      %dma_wait3A_811 = arith.constant 0 : i32
      %dma_wait3A_812 = tpu.memref_slice %arg4[%add3A_766, %dma_wait3A_810, %dma_wait3A_811] : memref<16384x56x128xf32, #tpu.memory_space<hbm>> -> memref<1x50x64xf32, #tpu.memory_space<hbm>>
      %dma_wait3A_813 = tpu.memref_squeeze %dma_wait3A_812 : memref<1x50x64xf32, #tpu.memory_space<hbm>> -> memref<50x64xf32, #tpu.memory_space<hbm>>
      %dma_wait3A_814 = arith.constant 50 : i32
      %dma_wait3A_815 = arith.constant 0 : i32
      %dma_wait3A_816 = tpu.memref_slice %arg6[%dma_wait3A_801, %dma_wait3A_814, %dma_wait3A_815] : memref<4x104x128xf32, #tpu.memory_space<vmem>> -> memref<1x50x64xf32, #tpu.memory_space<vmem>>
      %dma_wait3A_817 = tpu.memref_squeeze %dma_wait3A_816 : memref<1x50x64xf32, #tpu.memory_space<vmem>> -> memref<50x64xf32, #tpu.memory_space<vmem>>
      tpu.wait_dma2 semaphore(%arg14 : memref<!tpu.dma_semaphore, #tpu.memory_space<semaphore_mem>>) src(%dma_wait3A_817 : memref<50x64xf32, #tpu.memory_space<vmem>>) dst(%dma_wait3A_813 : memref<50x64xf32, #tpu.memory_space<hbm>>)
      %add3A_818 = arith.constant 3 : i32
      %add3A_819 = arith.addi %mul3A_412, %add3A_818 : i32
      %add3A_820 = arith.constant 4 : i32
      %add3A_821 = arith.addi %add3A_819, %add3A_820 : i32
      %dma_start3A_822 = arith.constant 3 : i32
      %dma_start3A_823 = arith.constant 0 : i32
      %dma_start3A_824 = arith.constant 0 : i32
      %dma_start3A_825 = tpu.memref_slice %arg6[%dma_start3A_822, %dma_start3A_823, %dma_start3A_824] : memref<4x104x128xf32, #tpu.memory_space<vmem>> -> memref<1x104x128xf32, #tpu.memory_space<vmem>>
      %dma_start3A_826 = tpu.memref_squeeze %dma_start3A_825 : memref<1x104x128xf32, #tpu.memory_space<vmem>> -> memref<104x128xf32, #tpu.memory_space<vmem>>
      %dma_start3A_827 = arith.constant 0 : i32
      %dma_start3A_828 = tpu.memref_slice %arg5[%add3A_821, %dma_start3A_827] : memref<256x128xi32, #tpu.memory_space<vmem>> -> memref<1x104xi32, #tpu.memory_space<vmem>>
      %dma_start3A_829 = tpu.memref_squeeze %dma_start3A_828 : memref<1x104xi32, #tpu.memory_space<vmem>> -> memref<104xi32, #tpu.memory_space<vmem>>
      %dma_start3A_830 = arith.constant 0 : i32
      %dma_start3A_831 = arith.constant 0 : i32
      %dma_start3A_832 = tpu.memref_slice %arg2[%dma_start3A_830, %dma_start3A_831] : memref<1000000x128xf32, #tpu.memory_space<hbm>> -> memref<1000000x128xf32, #tpu.memory_space<hbm>>
      tpu.enqueue_indirect_dma source(%dma_start3A_832 : memref<1000000x128xf32, #tpu.memory_space<hbm>>) target(%dma_start3A_826 : memref<104x128xf32, #tpu.memory_space<vmem>>) offsets(%dma_start3A_829 : memref<104xi32, #tpu.memory_space<vmem>>) semaphore(%arg10 : memref<!tpu.dma_semaphore, #tpu.memory_space<semaphore_mem>>)
    }
    %scan3A_54 = arith.constant 63 : i32
    %dma_wait3A = arith.constant 0 : i32
    %dma_wait3A_55 = arith.constant 0 : i32
    %dma_wait3A_56 = arith.constant 0 : i32
    %dma_wait3A_57 = tpu.memref_slice %arg6[%dma_wait3A, %dma_wait3A_55, %dma_wait3A_56] : memref<4x104x128xf32, #tpu.memory_space<vmem>> -> memref<1x104x128xf32, #tpu.memory_space<vmem>>
    %dma_wait3A_58 = tpu.memref_squeeze %dma_wait3A_57 : memref<1x104x128xf32, #tpu.memory_space<vmem>> -> memref<104x128xf32, #tpu.memory_space<vmem>>
    %dma_wait3A_59 = arith.constant 0 : i32
    %dma_wait3A_60 = arith.constant 0 : i32
    %dma_wait3A_61 = tpu.memref_slice %arg2[%dma_wait3A_59, %dma_wait3A_60] : memref<1000000x128xf32, #tpu.memory_space<hbm>> -> memref<104x128xf32, #tpu.memory_space<hbm>>
    %dma_wait3A_62 = arith.constant 0 : i32
    %dma_wait3A_63 = arith.constant 0 : i32
    %dma_wait3A_64 = tpu.memref_slice %arg6[%dma_wait3A, %dma_wait3A_62, %dma_wait3A_63] : memref<4x104x128xf32, #tpu.memory_space<vmem>> -> memref<1x104x128xf32, #tpu.memory_space<vmem>>
    %dma_wait3A_65 = tpu.memref_squeeze %dma_wait3A_64 : memref<1x104x128xf32, #tpu.memory_space<vmem>> -> memref<104x128xf32, #tpu.memory_space<vmem>>
    %dma_wait3A_66 = arith.constant 0 : i32
    %dma_wait3A_67 = arith.constant 0 : i32
    %dma_wait3A_68 = tpu.memref_slice %arg2[%dma_wait3A_66, %dma_wait3A_67] : memref<1000000x128xf32, #tpu.memory_space<hbm>> -> memref<104x128xf32, #tpu.memory_space<hbm>>
    tpu.wait_dma2 semaphore(%arg7 : memref<!tpu.dma_semaphore, #tpu.memory_space<semaphore_mem>>) src(%dma_wait3A_68 : memref<104x128xf32, #tpu.memory_space<hbm>>) dst(%dma_wait3A_65 : memref<104x128xf32, #tpu.memory_space<vmem>>)
    %add3A_69 = arith.constant 252 : i32
    %add3A_70 = arith.addi %mul3A_2, %add3A_69 : i32
    %mul3A_71 = arith.constant 2 : i32
    %mul3A_72 = arith.muli %add3A_70, %mul3A_71 : i32
    %dma_start3A_73 = arith.constant 0 : i32
    %dma_start3A_74 = arith.constant 0 : i32
    %dma_start3A_75 = arith.constant 0 : i32
    %dma_start3A_76 = tpu.memref_slice %arg6[%dma_start3A_73, %dma_start3A_74, %dma_start3A_75] : memref<4x104x128xf32, #tpu.memory_space<vmem>> -> memref<1x50x64xf32, #tpu.memory_space<vmem>>
    %dma_start3A_77 = tpu.memref_squeeze %dma_start3A_76 : memref<1x50x64xf32, #tpu.memory_space<vmem>> -> memref<50x64xf32, #tpu.memory_space<vmem>>
    %dma_start3A_78 = arith.constant 0 : i32
    %dma_start3A_79 = arith.constant 0 : i32
    %dma_start3A_80 = tpu.memref_slice %arg4[%mul3A_72, %dma_start3A_78, %dma_start3A_79] : memref<16384x56x128xf32, #tpu.memory_space<hbm>> -> memref<1x50x64xf32, #tpu.memory_space<hbm>>
    %dma_start3A_81 = tpu.memref_squeeze %dma_start3A_80 : memref<1x50x64xf32, #tpu.memory_space<hbm>> -> memref<50x64xf32, #tpu.memory_space<hbm>>
    %dma_start3A_82 = arith.constant 0 : i32
    %dma_start3A_83 = arith.constant 0 : i32
    %dma_start3A_84 = tpu.memref_slice %arg4[%mul3A_72, %dma_start3A_82, %dma_start3A_83] : memref<16384x56x128xf32, #tpu.memory_space<hbm>> -> memref<1x50x64xf32, #tpu.memory_space<hbm>>
    %dma_start3A_85 = tpu.memref_squeeze %dma_start3A_84 : memref<1x50x64xf32, #tpu.memory_space<hbm>> -> memref<50x64xf32, #tpu.memory_space<hbm>>
    %dma_start3A_86 = arith.constant 0 : i32
    %dma_start3A_87 = arith.constant 0 : i32
    %dma_start3A_88 = tpu.memref_slice %arg6[%dma_start3A_73, %dma_start3A_86, %dma_start3A_87] : memref<4x104x128xf32, #tpu.memory_space<vmem>> -> memref<1x50x64xf32, #tpu.memory_space<vmem>>
    %dma_start3A_89 = tpu.memref_squeeze %dma_start3A_88 : memref<1x50x64xf32, #tpu.memory_space<vmem>> -> memref<50x64xf32, #tpu.memory_space<vmem>>
    tpu.enqueue_dma source(%dma_start3A_89 : memref<50x64xf32, #tpu.memory_space<vmem>>) target(%dma_start3A_85 : memref<50x64xf32, #tpu.memory_space<hbm>>) target_semaphore(%arg11 : memref<!tpu.dma_semaphore, #tpu.memory_space<semaphore_mem>>)
    %add3A_90 = arith.constant 1 : i32
    %add3A_91 = arith.addi %mul3A_72, %add3A_90 : i32
    %dma_start3A_92 = arith.constant 0 : i32
    %dma_start3A_93 = arith.constant 50 : i32
    %dma_start3A_94 = arith.constant 0 : i32
    %dma_start3A_95 = tpu.memref_slice %arg6[%dma_start3A_92, %dma_start3A_93, %dma_start3A_94] : memref<4x104x128xf32, #tpu.memory_space<vmem>> -> memref<1x50x64xf32, #tpu.memory_space<vmem>>
    %dma_start3A_96 = tpu.memref_squeeze %dma_start3A_95 : memref<1x50x64xf32, #tpu.memory_space<vmem>> -> memref<50x64xf32, #tpu.memory_space<vmem>>
    %dma_start3A_97 = arith.constant 0 : i32
    %dma_start3A_98 = arith.constant 0 : i32
    %dma_start3A_99 = tpu.memref_slice %arg4[%add3A_91, %dma_start3A_97, %dma_start3A_98] : memref<16384x56x128xf32, #tpu.memory_space<hbm>> -> memref<1x50x64xf32, #tpu.memory_space<hbm>>
    %dma_start3A_100 = tpu.memref_squeeze %dma_start3A_99 : memref<1x50x64xf32, #tpu.memory_space<hbm>> -> memref<50x64xf32, #tpu.memory_space<hbm>>
    %dma_start3A_101 = arith.constant 0 : i32
    %dma_start3A_102 = arith.constant 0 : i32
    %dma_start3A_103 = tpu.memref_slice %arg4[%add3A_91, %dma_start3A_101, %dma_start3A_102] : memref<16384x56x128xf32, #tpu.memory_space<hbm>> -> memref<1x50x64xf32, #tpu.memory_space<hbm>>
    %dma_start3A_104 = tpu.memref_squeeze %dma_start3A_103 : memref<1x50x64xf32, #tpu.memory_space<hbm>> -> memref<50x64xf32, #tpu.memory_space<hbm>>
    %dma_start3A_105 = arith.constant 50 : i32
    %dma_start3A_106 = arith.constant 0 : i32
    %dma_start3A_107 = tpu.memref_slice %arg6[%dma_start3A_92, %dma_start3A_105, %dma_start3A_106] : memref<4x104x128xf32, #tpu.memory_space<vmem>> -> memref<1x50x64xf32, #tpu.memory_space<vmem>>
    %dma_start3A_108 = tpu.memref_squeeze %dma_start3A_107 : memref<1x50x64xf32, #tpu.memory_space<vmem>> -> memref<50x64xf32, #tpu.memory_space<vmem>>
    tpu.enqueue_dma source(%dma_start3A_108 : memref<50x64xf32, #tpu.memory_space<vmem>>) target(%dma_start3A_104 : memref<50x64xf32, #tpu.memory_space<hbm>>) target_semaphore(%arg11 : memref<!tpu.dma_semaphore, #tpu.memory_space<semaphore_mem>>)
    %dma_wait3A_109 = arith.constant 0 : i32
    %dma_wait3A_110 = arith.constant 0 : i32
    %dma_wait3A_111 = arith.constant 0 : i32
    %dma_wait3A_112 = tpu.memref_slice %arg6[%dma_wait3A_109, %dma_wait3A_110, %dma_wait3A_111] : memref<4x104x128xf32, #tpu.memory_space<vmem>> -> memref<1x50x64xf32, #tpu.memory_space<vmem>>
    %dma_wait3A_113 = tpu.memref_squeeze %dma_wait3A_112 : memref<1x50x64xf32, #tpu.memory_space<vmem>> -> memref<50x64xf32, #tpu.memory_space<vmem>>
    %dma_wait3A_114 = arith.constant 0 : i32
    %dma_wait3A_115 = arith.constant 0 : i32
    %dma_wait3A_116 = tpu.memref_slice %arg4[%mul3A_72, %dma_wait3A_114, %dma_wait3A_115] : memref<16384x56x128xf32, #tpu.memory_space<hbm>> -> memref<1x50x64xf32, #tpu.memory_space<hbm>>
    %dma_wait3A_117 = tpu.memref_squeeze %dma_wait3A_116 : memref<1x50x64xf32, #tpu.memory_space<hbm>> -> memref<50x64xf32, #tpu.memory_space<hbm>>
    %dma_wait3A_118 = arith.constant 0 : i32
    %dma_wait3A_119 = arith.constant 0 : i32
    %dma_wait3A_120 = tpu.memref_slice %arg4[%mul3A_72, %dma_wait3A_118, %dma_wait3A_119] : memref<16384x56x128xf32, #tpu.memory_space<hbm>> -> memref<1x50x64xf32, #tpu.memory_space<hbm>>
    %dma_wait3A_121 = tpu.memref_squeeze %dma_wait3A_120 : memref<1x50x64xf32, #tpu.memory_space<hbm>> -> memref<50x64xf32, #tpu.memory_space<hbm>>
    %dma_wait3A_122 = arith.constant 0 : i32
    %dma_wait3A_123 = arith.constant 0 : i32
    %dma_wait3A_124 = tpu.memref_slice %arg6[%dma_wait3A_109, %dma_wait3A_122, %dma_wait3A_123] : memref<4x104x128xf32, #tpu.memory_space<vmem>> -> memref<1x50x64xf32, #tpu.memory_space<vmem>>
    %dma_wait3A_125 = tpu.memref_squeeze %dma_wait3A_124 : memref<1x50x64xf32, #tpu.memory_space<vmem>> -> memref<50x64xf32, #tpu.memory_space<vmem>>
    tpu.wait_dma2 semaphore(%arg11 : memref<!tpu.dma_semaphore, #tpu.memory_space<semaphore_mem>>) src(%dma_wait3A_125 : memref<50x64xf32, #tpu.memory_space<vmem>>) dst(%dma_wait3A_121 : memref<50x64xf32, #tpu.memory_space<hbm>>)
    %dma_wait3A_126 = arith.constant 0 : i32
    %dma_wait3A_127 = arith.constant 50 : i32
    %dma_wait3A_128 = arith.constant 0 : i32
    %dma_wait3A_129 = tpu.memref_slice %arg6[%dma_wait3A_126, %dma_wait3A_127, %dma_wait3A_128] : memref<4x104x128xf32, #tpu.memory_space<vmem>> -> memref<1x50x64xf32, #tpu.memory_space<vmem>>
    %dma_wait3A_130 = tpu.memref_squeeze %dma_wait3A_129 : memref<1x50x64xf32, #tpu.memory_space<vmem>> -> memref<50x64xf32, #tpu.memory_space<vmem>>
    %dma_wait3A_131 = arith.constant 0 : i32
    %dma_wait3A_132 = arith.constant 0 : i32
    %dma_wait3A_133 = tpu.memref_slice %arg4[%add3A_91, %dma_wait3A_131, %dma_wait3A_132] : memref<16384x56x128xf32, #tpu.memory_space<hbm>> -> memref<1x50x64xf32, #tpu.memory_space<hbm>>
    %dma_wait3A_134 = tpu.memref_squeeze %dma_wait3A_133 : memref<1x50x64xf32, #tpu.memory_space<hbm>> -> memref<50x64xf32, #tpu.memory_space<hbm>>
    %dma_wait3A_135 = arith.constant 0 : i32
    %dma_wait3A_136 = arith.constant 0 : i32
    %dma_wait3A_137 = tpu.memref_slice %arg4[%add3A_91, %dma_wait3A_135, %dma_wait3A_136] : memref<16384x56x128xf32, #tpu.memory_space<hbm>> -> memref<1x50x64xf32, #tpu.memory_space<hbm>>
    %dma_wait3A_138 = tpu.memref_squeeze %dma_wait3A_137 : memref<1x50x64xf32, #tpu.memory_space<hbm>> -> memref<50x64xf32, #tpu.memory_space<hbm>>
    %dma_wait3A_139 = arith.constant 50 : i32
    %dma_wait3A_140 = arith.constant 0 : i32
    %dma_wait3A_141 = tpu.memref_slice %arg6[%dma_wait3A_126, %dma_wait3A_139, %dma_wait3A_140] : memref<4x104x128xf32, #tpu.memory_space<vmem>> -> memref<1x50x64xf32, #tpu.memory_space<vmem>>
    %dma_wait3A_142 = tpu.memref_squeeze %dma_wait3A_141 : memref<1x50x64xf32, #tpu.memory_space<vmem>> -> memref<50x64xf32, #tpu.memory_space<vmem>>
    tpu.wait_dma2 semaphore(%arg11 : memref<!tpu.dma_semaphore, #tpu.memory_space<semaphore_mem>>) src(%dma_wait3A_142 : memref<50x64xf32, #tpu.memory_space<vmem>>) dst(%dma_wait3A_138 : memref<50x64xf32, #tpu.memory_space<hbm>>)
    %dma_wait3A_143 = arith.constant 1 : i32
    %dma_wait3A_144 = arith.constant 0 : i32
    %dma_wait3A_145 = arith.constant 0 : i32
    %dma_wait3A_146 = tpu.memref_slice %arg6[%dma_wait3A_143, %dma_wait3A_144, %dma_wait3A_145] : memref<4x104x128xf32, #tpu.memory_space<vmem>> -> memref<1x104x128xf32, #tpu.memory_space<vmem>>
    %dma_wait3A_147 = tpu.memref_squeeze %dma_wait3A_146 : memref<1x104x128xf32, #tpu.memory_space<vmem>> -> memref<104x128xf32, #tpu.memory_space<vmem>>
    %dma_wait3A_148 = arith.constant 0 : i32
    %dma_wait3A_149 = arith.constant 0 : i32
    %dma_wait3A_150 = tpu.memref_slice %arg2[%dma_wait3A_148, %dma_wait3A_149] : memref<1000000x128xf32, #tpu.memory_space<hbm>> -> memref<104x128xf32, #tpu.memory_space<hbm>>
    %dma_wait3A_151 = arith.constant 0 : i32
    %dma_wait3A_152 = arith.constant 0 : i32
    %dma_wait3A_153 = tpu.memref_slice %arg6[%dma_wait3A_143, %dma_wait3A_151, %dma_wait3A_152] : memref<4x104x128xf32, #tpu.memory_space<vmem>> -> memref<1x104x128xf32, #tpu.memory_space<vmem>>
    %dma_wait3A_154 = tpu.memref_squeeze %dma_wait3A_153 : memref<1x104x128xf32, #tpu.memory_space<vmem>> -> memref<104x128xf32, #tpu.memory_space<vmem>>
    %dma_wait3A_155 = arith.constant 0 : i32
    %dma_wait3A_156 = arith.constant 0 : i32
    %dma_wait3A_157 = tpu.memref_slice %arg2[%dma_wait3A_155, %dma_wait3A_156] : memref<1000000x128xf32, #tpu.memory_space<hbm>> -> memref<104x128xf32, #tpu.memory_space<hbm>>
    tpu.wait_dma2 semaphore(%arg8 : memref<!tpu.dma_semaphore, #tpu.memory_space<semaphore_mem>>) src(%dma_wait3A_157 : memref<104x128xf32, #tpu.memory_space<hbm>>) dst(%dma_wait3A_154 : memref<104x128xf32, #tpu.memory_space<vmem>>)
    %add3A_158 = arith.constant 253 : i32
    %add3A_159 = arith.addi %mul3A_2, %add3A_158 : i32
    %mul3A_160 = arith.constant 2 : i32
    %mul3A_161 = arith.muli %add3A_159, %mul3A_160 : i32
    %dma_start3A_162 = arith.constant 1 : i32
    %dma_start3A_163 = arith.constant 0 : i32
    %dma_start3A_164 = arith.constant 0 : i32
    %dma_start3A_165 = tpu.memref_slice %arg6[%dma_start3A_162, %dma_start3A_163, %dma_start3A_164] : memref<4x104x128xf32, #tpu.memory_space<vmem>> -> memref<1x50x64xf32, #tpu.memory_space<vmem>>
    %dma_start3A_166 = tpu.memref_squeeze %dma_start3A_165 : memref<1x50x64xf32, #tpu.memory_space<vmem>> -> memref<50x64xf32, #tpu.memory_space<vmem>>
    %dma_start3A_167 = arith.constant 0 : i32
    %dma_start3A_168 = arith.constant 0 : i32
    %dma_start3A_169 = tpu.memref_slice %arg4[%mul3A_161, %dma_start3A_167, %dma_start3A_168] : memref<16384x56x128xf32, #tpu.memory_space<hbm>> -> memref<1x50x64xf32, #tpu.memory_space<hbm>>
    %dma_start3A_170 = tpu.memref_squeeze %dma_start3A_169 : memref<1x50x64xf32, #tpu.memory_space<hbm>> -> memref<50x64xf32, #tpu.memory_space<hbm>>
    %dma_start3A_171 = arith.constant 0 : i32
    %dma_start3A_172 = arith.constant 0 : i32
    %dma_start3A_173 = tpu.memref_slice %arg4[%mul3A_161, %dma_start3A_171, %dma_start3A_172] : memref<16384x56x128xf32, #tpu.memory_space<hbm>> -> memref<1x50x64xf32, #tpu.memory_space<hbm>>
    %dma_start3A_174 = tpu.memref_squeeze %dma_start3A_173 : memref<1x50x64xf32, #tpu.memory_space<hbm>> -> memref<50x64xf32, #tpu.memory_space<hbm>>
    %dma_start3A_175 = arith.constant 0 : i32
    %dma_start3A_176 = arith.constant 0 : i32
    %dma_start3A_177 = tpu.memref_slice %arg6[%dma_start3A_162, %dma_start3A_175, %dma_start3A_176] : memref<4x104x128xf32, #tpu.memory_space<vmem>> -> memref<1x50x64xf32, #tpu.memory_space<vmem>>
    %dma_start3A_178 = tpu.memref_squeeze %dma_start3A_177 : memref<1x50x64xf32, #tpu.memory_space<vmem>> -> memref<50x64xf32, #tpu.memory_space<vmem>>
    tpu.enqueue_dma source(%dma_start3A_178 : memref<50x64xf32, #tpu.memory_space<vmem>>) target(%dma_start3A_174 : memref<50x64xf32, #tpu.memory_space<hbm>>) target_semaphore(%arg12 : memref<!tpu.dma_semaphore, #tpu.memory_space<semaphore_mem>>)
    %add3A_179 = arith.constant 1 : i32
    %add3A_180 = arith.addi %mul3A_161, %add3A_179 : i32
    %dma_start3A_181 = arith.constant 1 : i32
    %dma_start3A_182 = arith.constant 50 : i32
    %dma_start3A_183 = arith.constant 0 : i32
    %dma_start3A_184 = tpu.memref_slice %arg6[%dma_start3A_181, %dma_start3A_182, %dma_start3A_183] : memref<4x104x128xf32, #tpu.memory_space<vmem>> -> memref<1x50x64xf32, #tpu.memory_space<vmem>>
    %dma_start3A_185 = tpu.memref_squeeze %dma_start3A_184 : memref<1x50x64xf32, #tpu.memory_space<vmem>> -> memref<50x64xf32, #tpu.memory_space<vmem>>
    %dma_start3A_186 = arith.constant 0 : i32
    %dma_start3A_187 = arith.constant 0 : i32
    %dma_start3A_188 = tpu.memref_slice %arg4[%add3A_180, %dma_start3A_186, %dma_start3A_187] : memref<16384x56x128xf32, #tpu.memory_space<hbm>> -> memref<1x50x64xf32, #tpu.memory_space<hbm>>
    %dma_start3A_189 = tpu.memref_squeeze %dma_start3A_188 : memref<1x50x64xf32, #tpu.memory_space<hbm>> -> memref<50x64xf32, #tpu.memory_space<hbm>>
    %dma_start3A_190 = arith.constant 0 : i32
    %dma_start3A_191 = arith.constant 0 : i32
    %dma_start3A_192 = tpu.memref_slice %arg4[%add3A_180, %dma_start3A_190, %dma_start3A_191] : memref<16384x56x128xf32, #tpu.memory_space<hbm>> -> memref<1x50x64xf32, #tpu.memory_space<hbm>>
    %dma_start3A_193 = tpu.memref_squeeze %dma_start3A_192 : memref<1x50x64xf32, #tpu.memory_space<hbm>> -> memref<50x64xf32, #tpu.memory_space<hbm>>
    %dma_start3A_194 = arith.constant 50 : i32
    %dma_start3A_195 = arith.constant 0 : i32
    %dma_start3A_196 = tpu.memref_slice %arg6[%dma_start3A_181, %dma_start3A_194, %dma_start3A_195] : memref<4x104x128xf32, #tpu.memory_space<vmem>> -> memref<1x50x64xf32, #tpu.memory_space<vmem>>
    %dma_start3A_197 = tpu.memref_squeeze %dma_start3A_196 : memref<1x50x64xf32, #tpu.memory_space<vmem>> -> memref<50x64xf32, #tpu.memory_space<vmem>>
    tpu.enqueue_dma source(%dma_start3A_197 : memref<50x64xf32, #tpu.memory_space<vmem>>) target(%dma_start3A_193 : memref<50x64xf32, #tpu.memory_space<hbm>>) target_semaphore(%arg12 : memref<!tpu.dma_semaphore, #tpu.memory_space<semaphore_mem>>)
    %dma_wait3A_198 = arith.constant 1 : i32
    %dma_wait3A_199 = arith.constant 0 : i32
    %dma_wait3A_200 = arith.constant 0 : i32
    %dma_wait3A_201 = tpu.memref_slice %arg6[%dma_wait3A_198, %dma_wait3A_199, %dma_wait3A_200] : memref<4x104x128xf32, #tpu.memory_space<vmem>> -> memref<1x50x64xf32, #tpu.memory_space<vmem>>
    %dma_wait3A_202 = tpu.memref_squeeze %dma_wait3A_201 : memref<1x50x64xf32, #tpu.memory_space<vmem>> -> memref<50x64xf32, #tpu.memory_space<vmem>>
    %dma_wait3A_203 = arith.constant 0 : i32
    %dma_wait3A_204 = arith.constant 0 : i32
    %dma_wait3A_205 = tpu.memref_slice %arg4[%mul3A_161, %dma_wait3A_203, %dma_wait3A_204] : memref<16384x56x128xf32, #tpu.memory_space<hbm>> -> memref<1x50x64xf32, #tpu.memory_space<hbm>>
    %dma_wait3A_206 = tpu.memref_squeeze %dma_wait3A_205 : memref<1x50x64xf32, #tpu.memory_space<hbm>> -> memref<50x64xf32, #tpu.memory_space<hbm>>
    %dma_wait3A_207 = arith.constant 0 : i32
    %dma_wait3A_208 = arith.constant 0 : i32
    %dma_wait3A_209 = tpu.memref_slice %arg4[%mul3A_161, %dma_wait3A_207, %dma_wait3A_208] : memref<16384x56x128xf32, #tpu.memory_space<hbm>> -> memref<1x50x64xf32, #tpu.memory_space<hbm>>
    %dma_wait3A_210 = tpu.memref_squeeze %dma_wait3A_209 : memref<1x50x64xf32, #tpu.memory_space<hbm>> -> memref<50x64xf32, #tpu.memory_space<hbm>>
    %dma_wait3A_211 = arith.constant 0 : i32
    %dma_wait3A_212 = arith.constant 0 : i32
    %dma_wait3A_213 = tpu.memref_slice %arg6[%dma_wait3A_198, %dma_wait3A_211, %dma_wait3A_212] : memref<4x104x128xf32, #tpu.memory_space<vmem>> -> memref<1x50x64xf32, #tpu.memory_space<vmem>>
    %dma_wait3A_214 = tpu.memref_squeeze %dma_wait3A_213 : memref<1x50x64xf32, #tpu.memory_space<vmem>> -> memref<50x64xf32, #tpu.memory_space<vmem>>
    tpu.wait_dma2 semaphore(%arg12 : memref<!tpu.dma_semaphore, #tpu.memory_space<semaphore_mem>>) src(%dma_wait3A_214 : memref<50x64xf32, #tpu.memory_space<vmem>>) dst(%dma_wait3A_210 : memref<50x64xf32, #tpu.memory_space<hbm>>)
    %dma_wait3A_215 = arith.constant 1 : i32
    %dma_wait3A_216 = arith.constant 50 : i32
    %dma_wait3A_217 = arith.constant 0 : i32
    %dma_wait3A_218 = tpu.memref_slice %arg6[%dma_wait3A_215, %dma_wait3A_216, %dma_wait3A_217] : memref<4x104x128xf32, #tpu.memory_space<vmem>> -> memref<1x50x64xf32, #tpu.memory_space<vmem>>
    %dma_wait3A_219 = tpu.memref_squeeze %dma_wait3A_218 : memref<1x50x64xf32, #tpu.memory_space<vmem>> -> memref<50x64xf32, #tpu.memory_space<vmem>>
    %dma_wait3A_220 = arith.constant 0 : i32
    %dma_wait3A_221 = arith.constant 0 : i32
    %dma_wait3A_222 = tpu.memref_slice %arg4[%add3A_180, %dma_wait3A_220, %dma_wait3A_221] : memref<16384x56x128xf32, #tpu.memory_space<hbm>> -> memref<1x50x64xf32, #tpu.memory_space<hbm>>
    %dma_wait3A_223 = tpu.memref_squeeze %dma_wait3A_222 : memref<1x50x64xf32, #tpu.memory_space<hbm>> -> memref<50x64xf32, #tpu.memory_space<hbm>>
    %dma_wait3A_224 = arith.constant 0 : i32
    %dma_wait3A_225 = arith.constant 0 : i32
    %dma_wait3A_226 = tpu.memref_slice %arg4[%add3A_180, %dma_wait3A_224, %dma_wait3A_225] : memref<16384x56x128xf32, #tpu.memory_space<hbm>> -> memref<1x50x64xf32, #tpu.memory_space<hbm>>
    %dma_wait3A_227 = tpu.memref_squeeze %dma_wait3A_226 : memref<1x50x64xf32, #tpu.memory_space<hbm>> -> memref<50x64xf32, #tpu.memory_space<hbm>>
    %dma_wait3A_228 = arith.constant 50 : i32
    %dma_wait3A_229 = arith.constant 0 : i32
    %dma_wait3A_230 = tpu.memref_slice %arg6[%dma_wait3A_215, %dma_wait3A_228, %dma_wait3A_229] : memref<4x104x128xf32, #tpu.memory_space<vmem>> -> memref<1x50x64xf32, #tpu.memory_space<vmem>>
    %dma_wait3A_231 = tpu.memref_squeeze %dma_wait3A_230 : memref<1x50x64xf32, #tpu.memory_space<vmem>> -> memref<50x64xf32, #tpu.memory_space<vmem>>
    tpu.wait_dma2 semaphore(%arg12 : memref<!tpu.dma_semaphore, #tpu.memory_space<semaphore_mem>>) src(%dma_wait3A_231 : memref<50x64xf32, #tpu.memory_space<vmem>>) dst(%dma_wait3A_227 : memref<50x64xf32, #tpu.memory_space<hbm>>)
    %dma_wait3A_232 = arith.constant 2 : i32
    %dma_wait3A_233 = arith.constant 0 : i32
    %dma_wait3A_234 = arith.constant 0 : i32
    %dma_wait3A_235 = tpu.memref_slice %arg6[%dma_wait3A_232, %dma_wait3A_233, %dma_wait3A_234] : memref<4x104x128xf32, #tpu.memory_space<vmem>> -> memref<1x104x128xf32, #tpu.memory_space<vmem>>
    %dma_wait3A_236 = tpu.memref_squeeze %dma_wait3A_235 : memref<1x104x128xf32, #tpu.memory_space<vmem>> -> memref<104x128xf32, #tpu.memory_space<vmem>>
    %dma_wait3A_237 = arith.constant 0 : i32
    %dma_wait3A_238 = arith.constant 0 : i32
    %dma_wait3A_239 = tpu.memref_slice %arg2[%dma_wait3A_237, %dma_wait3A_238] : memref<1000000x128xf32, #tpu.memory_space<hbm>> -> memref<104x128xf32, #tpu.memory_space<hbm>>
    %dma_wait3A_240 = arith.constant 0 : i32
    %dma_wait3A_241 = arith.constant 0 : i32
    %dma_wait3A_242 = tpu.memref_slice %arg6[%dma_wait3A_232, %dma_wait3A_240, %dma_wait3A_241] : memref<4x104x128xf32, #tpu.memory_space<vmem>> -> memref<1x104x128xf32, #tpu.memory_space<vmem>>
    %dma_wait3A_243 = tpu.memref_squeeze %dma_wait3A_242 : memref<1x104x128xf32, #tpu.memory_space<vmem>> -> memref<104x128xf32, #tpu.memory_space<vmem>>
    %dma_wait3A_244 = arith.constant 0 : i32
    %dma_wait3A_245 = arith.constant 0 : i32
    %dma_wait3A_246 = tpu.memref_slice %arg2[%dma_wait3A_244, %dma_wait3A_245] : memref<1000000x128xf32, #tpu.memory_space<hbm>> -> memref<104x128xf32, #tpu.memory_space<hbm>>
    tpu.wait_dma2 semaphore(%arg9 : memref<!tpu.dma_semaphore, #tpu.memory_space<semaphore_mem>>) src(%dma_wait3A_246 : memref<104x128xf32, #tpu.memory_space<hbm>>) dst(%dma_wait3A_243 : memref<104x128xf32, #tpu.memory_space<vmem>>)
    %add3A_247 = arith.constant 254 : i32
    %add3A_248 = arith.addi %mul3A_2, %add3A_247 : i32
    %mul3A_249 = arith.constant 2 : i32
    %mul3A_250 = arith.muli %add3A_248, %mul3A_249 : i32
    %dma_start3A_251 = arith.constant 2 : i32
    %dma_start3A_252 = arith.constant 0 : i32
    %dma_start3A_253 = arith.constant 0 : i32
    %dma_start3A_254 = tpu.memref_slice %arg6[%dma_start3A_251, %dma_start3A_252, %dma_start3A_253] : memref<4x104x128xf32, #tpu.memory_space<vmem>> -> memref<1x50x64xf32, #tpu.memory_space<vmem>>
    %dma_start3A_255 = tpu.memref_squeeze %dma_start3A_254 : memref<1x50x64xf32, #tpu.memory_space<vmem>> -> memref<50x64xf32, #tpu.memory_space<vmem>>
    %dma_start3A_256 = arith.constant 0 : i32
    %dma_start3A_257 = arith.constant 0 : i32
    %dma_start3A_258 = tpu.memref_slice %arg4[%mul3A_250, %dma_start3A_256, %dma_start3A_257] : memref<16384x56x128xf32, #tpu.memory_space<hbm>> -> memref<1x50x64xf32, #tpu.memory_space<hbm>>
    %dma_start3A_259 = tpu.memref_squeeze %dma_start3A_258 : memref<1x50x64xf32, #tpu.memory_space<hbm>> -> memref<50x64xf32, #tpu.memory_space<hbm>>
    %dma_start3A_260 = arith.constant 0 : i32
    %dma_start3A_261 = arith.constant 0 : i32
    %dma_start3A_262 = tpu.memref_slice %arg4[%mul3A_250, %dma_start3A_260, %dma_start3A_261] : memref<16384x56x128xf32, #tpu.memory_space<hbm>> -> memref<1x50x64xf32, #tpu.memory_space<hbm>>
    %dma_start3A_263 = tpu.memref_squeeze %dma_start3A_262 : memref<1x50x64xf32, #tpu.memory_space<hbm>> -> memref<50x64xf32, #tpu.memory_space<hbm>>
    %dma_start3A_264 = arith.constant 0 : i32
    %dma_start3A_265 = arith.constant 0 : i32
    %dma_start3A_266 = tpu.memref_slice %arg6[%dma_start3A_251, %dma_start3A_264, %dma_start3A_265] : memref<4x104x128xf32, #tpu.memory_space<vmem>> -> memref<1x50x64xf32, #tpu.memory_space<vmem>>
    %dma_start3A_267 = tpu.memref_squeeze %dma_start3A_266 : memref<1x50x64xf32, #tpu.memory_space<vmem>> -> memref<50x64xf32, #tpu.memory_space<vmem>>
    tpu.enqueue_dma source(%dma_start3A_267 : memref<50x64xf32, #tpu.memory_space<vmem>>) target(%dma_start3A_263 : memref<50x64xf32, #tpu.memory_space<hbm>>) target_semaphore(%arg13 : memref<!tpu.dma_semaphore, #tpu.memory_space<semaphore_mem>>)
    %add3A_268 = arith.constant 1 : i32
    %add3A_269 = arith.addi %mul3A_250, %add3A_268 : i32
    %dma_start3A_270 = arith.constant 2 : i32
    %dma_start3A_271 = arith.constant 50 : i32
    %dma_start3A_272 = arith.constant 0 : i32
    %dma_start3A_273 = tpu.memref_slice %arg6[%dma_start3A_270, %dma_start3A_271, %dma_start3A_272] : memref<4x104x128xf32, #tpu.memory_space<vmem>> -> memref<1x50x64xf32, #tpu.memory_space<vmem>>
    %dma_start3A_274 = tpu.memref_squeeze %dma_start3A_273 : memref<1x50x64xf32, #tpu.memory_space<vmem>> -> memref<50x64xf32, #tpu.memory_space<vmem>>
    %dma_start3A_275 = arith.constant 0 : i32
    %dma_start3A_276 = arith.constant 0 : i32
    %dma_start3A_277 = tpu.memref_slice %arg4[%add3A_269, %dma_start3A_275, %dma_start3A_276] : memref<16384x56x128xf32, #tpu.memory_space<hbm>> -> memref<1x50x64xf32, #tpu.memory_space<hbm>>
    %dma_start3A_278 = tpu.memref_squeeze %dma_start3A_277 : memref<1x50x64xf32, #tpu.memory_space<hbm>> -> memref<50x64xf32, #tpu.memory_space<hbm>>
    %dma_start3A_279 = arith.constant 0 : i32
    %dma_start3A_280 = arith.constant 0 : i32
    %dma_start3A_281 = tpu.memref_slice %arg4[%add3A_269, %dma_start3A_279, %dma_start3A_280] : memref<16384x56x128xf32, #tpu.memory_space<hbm>> -> memref<1x50x64xf32, #tpu.memory_space<hbm>>
    %dma_start3A_282 = tpu.memref_squeeze %dma_start3A_281 : memref<1x50x64xf32, #tpu.memory_space<hbm>> -> memref<50x64xf32, #tpu.memory_space<hbm>>
    %dma_start3A_283 = arith.constant 50 : i32
    %dma_start3A_284 = arith.constant 0 : i32
    %dma_start3A_285 = tpu.memref_slice %arg6[%dma_start3A_270, %dma_start3A_283, %dma_start3A_284] : memref<4x104x128xf32, #tpu.memory_space<vmem>> -> memref<1x50x64xf32, #tpu.memory_space<vmem>>
    %dma_start3A_286 = tpu.memref_squeeze %dma_start3A_285 : memref<1x50x64xf32, #tpu.memory_space<vmem>> -> memref<50x64xf32, #tpu.memory_space<vmem>>
    tpu.enqueue_dma source(%dma_start3A_286 : memref<50x64xf32, #tpu.memory_space<vmem>>) target(%dma_start3A_282 : memref<50x64xf32, #tpu.memory_space<hbm>>) target_semaphore(%arg13 : memref<!tpu.dma_semaphore, #tpu.memory_space<semaphore_mem>>)
    %dma_wait3A_287 = arith.constant 2 : i32
    %dma_wait3A_288 = arith.constant 0 : i32
    %dma_wait3A_289 = arith.constant 0 : i32
    %dma_wait3A_290 = tpu.memref_slice %arg6[%dma_wait3A_287, %dma_wait3A_288, %dma_wait3A_289] : memref<4x104x128xf32, #tpu.memory_space<vmem>> -> memref<1x50x64xf32, #tpu.memory_space<vmem>>
    %dma_wait3A_291 = tpu.memref_squeeze %dma_wait3A_290 : memref<1x50x64xf32, #tpu.memory_space<vmem>> -> memref<50x64xf32, #tpu.memory_space<vmem>>
    %dma_wait3A_292 = arith.constant 0 : i32
    %dma_wait3A_293 = arith.constant 0 : i32
    %dma_wait3A_294 = tpu.memref_slice %arg4[%mul3A_250, %dma_wait3A_292, %dma_wait3A_293] : memref<16384x56x128xf32, #tpu.memory_space<hbm>> -> memref<1x50x64xf32, #tpu.memory_space<hbm>>
    %dma_wait3A_295 = tpu.memref_squeeze %dma_wait3A_294 : memref<1x50x64xf32, #tpu.memory_space<hbm>> -> memref<50x64xf32, #tpu.memory_space<hbm>>
    %dma_wait3A_296 = arith.constant 0 : i32
    %dma_wait3A_297 = arith.constant 0 : i32
    %dma_wait3A_298 = tpu.memref_slice %arg4[%mul3A_250, %dma_wait3A_296, %dma_wait3A_297] : memref<16384x56x128xf32, #tpu.memory_space<hbm>> -> memref<1x50x64xf32, #tpu.memory_space<hbm>>
    %dma_wait3A_299 = tpu.memref_squeeze %dma_wait3A_298 : memref<1x50x64xf32, #tpu.memory_space<hbm>> -> memref<50x64xf32, #tpu.memory_space<hbm>>
    %dma_wait3A_300 = arith.constant 0 : i32
    %dma_wait3A_301 = arith.constant 0 : i32
    %dma_wait3A_302 = tpu.memref_slice %arg6[%dma_wait3A_287, %dma_wait3A_300, %dma_wait3A_301] : memref<4x104x128xf32, #tpu.memory_space<vmem>> -> memref<1x50x64xf32, #tpu.memory_space<vmem>>
    %dma_wait3A_303 = tpu.memref_squeeze %dma_wait3A_302 : memref<1x50x64xf32, #tpu.memory_space<vmem>> -> memref<50x64xf32, #tpu.memory_space<vmem>>
    tpu.wait_dma2 semaphore(%arg13 : memref<!tpu.dma_semaphore, #tpu.memory_space<semaphore_mem>>) src(%dma_wait3A_303 : memref<50x64xf32, #tpu.memory_space<vmem>>) dst(%dma_wait3A_299 : memref<50x64xf32, #tpu.memory_space<hbm>>)
    %dma_wait3A_304 = arith.constant 2 : i32
    %dma_wait3A_305 = arith.constant 50 : i32
    %dma_wait3A_306 = arith.constant 0 : i32
    %dma_wait3A_307 = tpu.memref_slice %arg6[%dma_wait3A_304, %dma_wait3A_305, %dma_wait3A_306] : memref<4x104x128xf32, #tpu.memory_space<vmem>> -> memref<1x50x64xf32, #tpu.memory_space<vmem>>
    %dma_wait3A_308 = tpu.memref_squeeze %dma_wait3A_307 : memref<1x50x64xf32, #tpu.memory_space<vmem>> -> memref<50x64xf32, #tpu.memory_space<vmem>>
    %dma_wait3A_309 = arith.constant 0 : i32
    %dma_wait3A_310 = arith.constant 0 : i32
    %dma_wait3A_311 = tpu.memref_slice %arg4[%add3A_269, %dma_wait3A_309, %dma_wait3A_310] : memref<16384x56x128xf32, #tpu.memory_space<hbm>> -> memref<1x50x64xf32, #tpu.memory_space<hbm>>
    %dma_wait3A_312 = tpu.memref_squeeze %dma_wait3A_311 : memref<1x50x64xf32, #tpu.memory_space<hbm>> -> memref<50x64xf32, #tpu.memory_space<hbm>>
    %dma_wait3A_313 = arith.constant 0 : i32
    %dma_wait3A_314 = arith.constant 0 : i32
    %dma_wait3A_315 = tpu.memref_slice %arg4[%add3A_269, %dma_wait3A_313, %dma_wait3A_314] : memref<16384x56x128xf32, #tpu.memory_space<hbm>> -> memref<1x50x64xf32, #tpu.memory_space<hbm>>
    %dma_wait3A_316 = tpu.memref_squeeze %dma_wait3A_315 : memref<1x50x64xf32, #tpu.memory_space<hbm>> -> memref<50x64xf32, #tpu.memory_space<hbm>>
    %dma_wait3A_317 = arith.constant 50 : i32
    %dma_wait3A_318 = arith.constant 0 : i32
    %dma_wait3A_319 = tpu.memref_slice %arg6[%dma_wait3A_304, %dma_wait3A_317, %dma_wait3A_318] : memref<4x104x128xf32, #tpu.memory_space<vmem>> -> memref<1x50x64xf32, #tpu.memory_space<vmem>>
    %dma_wait3A_320 = tpu.memref_squeeze %dma_wait3A_319 : memref<1x50x64xf32, #tpu.memory_space<vmem>> -> memref<50x64xf32, #tpu.memory_space<vmem>>
    tpu.wait_dma2 semaphore(%arg13 : memref<!tpu.dma_semaphore, #tpu.memory_space<semaphore_mem>>) src(%dma_wait3A_320 : memref<50x64xf32, #tpu.memory_space<vmem>>) dst(%dma_wait3A_316 : memref<50x64xf32, #tpu.memory_space<hbm>>)
    %dma_wait3A_321 = arith.constant 3 : i32
    %dma_wait3A_322 = arith.constant 0 : i32
    %dma_wait3A_323 = arith.constant 0 : i32
    %dma_wait3A_324 = tpu.memref_slice %arg6[%dma_wait3A_321, %dma_wait3A_322, %dma_wait3A_323] : memref<4x104x128xf32, #tpu.memory_space<vmem>> -> memref<1x104x128xf32, #tpu.memory_space<vmem>>
    %dma_wait3A_325 = tpu.memref_squeeze %dma_wait3A_324 : memref<1x104x128xf32, #tpu.memory_space<vmem>> -> memref<104x128xf32, #tpu.memory_space<vmem>>
    %dma_wait3A_326 = arith.constant 0 : i32
    %dma_wait3A_327 = arith.constant 0 : i32
    %dma_wait3A_328 = tpu.memref_slice %arg2[%dma_wait3A_326, %dma_wait3A_327] : memref<1000000x128xf32, #tpu.memory_space<hbm>> -> memref<104x128xf32, #tpu.memory_space<hbm>>
    %dma_wait3A_329 = arith.constant 0 : i32
    %dma_wait3A_330 = arith.constant 0 : i32
    %dma_wait3A_331 = tpu.memref_slice %arg6[%dma_wait3A_321, %dma_wait3A_329, %dma_wait3A_330] : memref<4x104x128xf32, #tpu.memory_space<vmem>> -> memref<1x104x128xf32, #tpu.memory_space<vmem>>
    %dma_wait3A_332 = tpu.memref_squeeze %dma_wait3A_331 : memref<1x104x128xf32, #tpu.memory_space<vmem>> -> memref<104x128xf32, #tpu.memory_space<vmem>>
    %dma_wait3A_333 = arith.constant 0 : i32
    %dma_wait3A_334 = arith.constant 0 : i32
    %dma_wait3A_335 = tpu.memref_slice %arg2[%dma_wait3A_333, %dma_wait3A_334] : memref<1000000x128xf32, #tpu.memory_space<hbm>> -> memref<104x128xf32, #tpu.memory_space<hbm>>
    tpu.wait_dma2 semaphore(%arg10 : memref<!tpu.dma_semaphore, #tpu.memory_space<semaphore_mem>>) src(%dma_wait3A_335 : memref<104x128xf32, #tpu.memory_space<hbm>>) dst(%dma_wait3A_332 : memref<104x128xf32, #tpu.memory_space<vmem>>)
    %add3A_336 = arith.constant 255 : i32
    %add3A_337 = arith.addi %mul3A_2, %add3A_336 : i32
    %mul3A_338 = arith.constant 2 : i32
    %mul3A_339 = arith.muli %add3A_337, %mul3A_338 : i32
    %dma_start3A_340 = arith.constant 3 : i32
    %dma_start3A_341 = arith.constant 0 : i32
    %dma_start3A_342 = arith.constant 0 : i32
    %dma_start3A_343 = tpu.memref_slice %arg6[%dma_start3A_340, %dma_start3A_341, %dma_start3A_342] : memref<4x104x128xf32, #tpu.memory_space<vmem>> -> memref<1x50x64xf32, #tpu.memory_space<vmem>>
    %dma_start3A_344 = tpu.memref_squeeze %dma_start3A_343 : memref<1x50x64xf32, #tpu.memory_space<vmem>> -> memref<50x64xf32, #tpu.memory_space<vmem>>
    %dma_start3A_345 = arith.constant 0 : i32
    %dma_start3A_346 = arith.constant 0 : i32
    %dma_start3A_347 = tpu.memref_slice %arg4[%mul3A_339, %dma_start3A_345, %dma_start3A_346] : memref<16384x56x128xf32, #tpu.memory_space<hbm>> -> memref<1x50x64xf32, #tpu.memory_space<hbm>>
    %dma_start3A_348 = tpu.memref_squeeze %dma_start3A_347 : memref<1x50x64xf32, #tpu.memory_space<hbm>> -> memref<50x64xf32, #tpu.memory_space<hbm>>
    %dma_start3A_349 = arith.constant 0 : i32
    %dma_start3A_350 = arith.constant 0 : i32
    %dma_start3A_351 = tpu.memref_slice %arg4[%mul3A_339, %dma_start3A_349, %dma_start3A_350] : memref<16384x56x128xf32, #tpu.memory_space<hbm>> -> memref<1x50x64xf32, #tpu.memory_space<hbm>>
    %dma_start3A_352 = tpu.memref_squeeze %dma_start3A_351 : memref<1x50x64xf32, #tpu.memory_space<hbm>> -> memref<50x64xf32, #tpu.memory_space<hbm>>
    %dma_start3A_353 = arith.constant 0 : i32
    %dma_start3A_354 = arith.constant 0 : i32
    %dma_start3A_355 = tpu.memref_slice %arg6[%dma_start3A_340, %dma_start3A_353, %dma_start3A_354] : memref<4x104x128xf32, #tpu.memory_space<vmem>> -> memref<1x50x64xf32, #tpu.memory_space<vmem>>
    %dma_start3A_356 = tpu.memref_squeeze %dma_start3A_355 : memref<1x50x64xf32, #tpu.memory_space<vmem>> -> memref<50x64xf32, #tpu.memory_space<vmem>>
    tpu.enqueue_dma source(%dma_start3A_356 : memref<50x64xf32, #tpu.memory_space<vmem>>) target(%dma_start3A_352 : memref<50x64xf32, #tpu.memory_space<hbm>>) target_semaphore(%arg14 : memref<!tpu.dma_semaphore, #tpu.memory_space<semaphore_mem>>)
    %add3A_357 = arith.constant 1 : i32
    %add3A_358 = arith.addi %mul3A_339, %add3A_357 : i32
    %dma_start3A_359 = arith.constant 3 : i32
    %dma_start3A_360 = arith.constant 50 : i32
    %dma_start3A_361 = arith.constant 0 : i32
    %dma_start3A_362 = tpu.memref_slice %arg6[%dma_start3A_359, %dma_start3A_360, %dma_start3A_361] : memref<4x104x128xf32, #tpu.memory_space<vmem>> -> memref<1x50x64xf32, #tpu.memory_space<vmem>>
    %dma_start3A_363 = tpu.memref_squeeze %dma_start3A_362 : memref<1x50x64xf32, #tpu.memory_space<vmem>> -> memref<50x64xf32, #tpu.memory_space<vmem>>
    %dma_start3A_364 = arith.constant 0 : i32
    %dma_start3A_365 = arith.constant 0 : i32
    %dma_start3A_366 = tpu.memref_slice %arg4[%add3A_358, %dma_start3A_364, %dma_start3A_365] : memref<16384x56x128xf32, #tpu.memory_space<hbm>> -> memref<1x50x64xf32, #tpu.memory_space<hbm>>
    %dma_start3A_367 = tpu.memref_squeeze %dma_start3A_366 : memref<1x50x64xf32, #tpu.memory_space<hbm>> -> memref<50x64xf32, #tpu.memory_space<hbm>>
    %dma_start3A_368 = arith.constant 0 : i32
    %dma_start3A_369 = arith.constant 0 : i32
    %dma_start3A_370 = tpu.memref_slice %arg4[%add3A_358, %dma_start3A_368, %dma_start3A_369] : memref<16384x56x128xf32, #tpu.memory_space<hbm>> -> memref<1x50x64xf32, #tpu.memory_space<hbm>>
    %dma_start3A_371 = tpu.memref_squeeze %dma_start3A_370 : memref<1x50x64xf32, #tpu.memory_space<hbm>> -> memref<50x64xf32, #tpu.memory_space<hbm>>
    %dma_start3A_372 = arith.constant 50 : i32
    %dma_start3A_373 = arith.constant 0 : i32
    %dma_start3A_374 = tpu.memref_slice %arg6[%dma_start3A_359, %dma_start3A_372, %dma_start3A_373] : memref<4x104x128xf32, #tpu.memory_space<vmem>> -> memref<1x50x64xf32, #tpu.memory_space<vmem>>
    %dma_start3A_375 = tpu.memref_squeeze %dma_start3A_374 : memref<1x50x64xf32, #tpu.memory_space<vmem>> -> memref<50x64xf32, #tpu.memory_space<vmem>>
    tpu.enqueue_dma source(%dma_start3A_375 : memref<50x64xf32, #tpu.memory_space<vmem>>) target(%dma_start3A_371 : memref<50x64xf32, #tpu.memory_space<hbm>>) target_semaphore(%arg14 : memref<!tpu.dma_semaphore, #tpu.memory_space<semaphore_mem>>)
    %dma_wait3A_376 = arith.constant 3 : i32
    %dma_wait3A_377 = arith.constant 0 : i32
    %dma_wait3A_378 = arith.constant 0 : i32
    %dma_wait3A_379 = tpu.memref_slice %arg6[%dma_wait3A_376, %dma_wait3A_377, %dma_wait3A_378] : memref<4x104x128xf32, #tpu.memory_space<vmem>> -> memref<1x50x64xf32, #tpu.memory_space<vmem>>
    %dma_wait3A_380 = tpu.memref_squeeze %dma_wait3A_379 : memref<1x50x64xf32, #tpu.memory_space<vmem>> -> memref<50x64xf32, #tpu.memory_space<vmem>>
    %dma_wait3A_381 = arith.constant 0 : i32
    %dma_wait3A_382 = arith.constant 0 : i32
    %dma_wait3A_383 = tpu.memref_slice %arg4[%mul3A_339, %dma_wait3A_381, %dma_wait3A_382] : memref<16384x56x128xf32, #tpu.memory_space<hbm>> -> memref<1x50x64xf32, #tpu.memory_space<hbm>>
    %dma_wait3A_384 = tpu.memref_squeeze %dma_wait3A_383 : memref<1x50x64xf32, #tpu.memory_space<hbm>> -> memref<50x64xf32, #tpu.memory_space<hbm>>
    %dma_wait3A_385 = arith.constant 0 : i32
    %dma_wait3A_386 = arith.constant 0 : i32
    %dma_wait3A_387 = tpu.memref_slice %arg4[%mul3A_339, %dma_wait3A_385, %dma_wait3A_386] : memref<16384x56x128xf32, #tpu.memory_space<hbm>> -> memref<1x50x64xf32, #tpu.memory_space<hbm>>
    %dma_wait3A_388 = tpu.memref_squeeze %dma_wait3A_387 : memref<1x50x64xf32, #tpu.memory_space<hbm>> -> memref<50x64xf32, #tpu.memory_space<hbm>>
    %dma_wait3A_389 = arith.constant 0 : i32
    %dma_wait3A_390 = arith.constant 0 : i32
    %dma_wait3A_391 = tpu.memref_slice %arg6[%dma_wait3A_376, %dma_wait3A_389, %dma_wait3A_390] : memref<4x104x128xf32, #tpu.memory_space<vmem>> -> memref<1x50x64xf32, #tpu.memory_space<vmem>>
    %dma_wait3A_392 = tpu.memref_squeeze %dma_wait3A_391 : memref<1x50x64xf32, #tpu.memory_space<vmem>> -> memref<50x64xf32, #tpu.memory_space<vmem>>
    tpu.wait_dma2 semaphore(%arg14 : memref<!tpu.dma_semaphore, #tpu.memory_space<semaphore_mem>>) src(%dma_wait3A_392 : memref<50x64xf32, #tpu.memory_space<vmem>>) dst(%dma_wait3A_388 : memref<50x64xf32, #tpu.memory_space<hbm>>)
    %dma_wait3A_393 = arith.constant 3 : i32
    %dma_wait3A_394 = arith.constant 50 : i32
    %dma_wait3A_395 = arith.constant 0 : i32
    %dma_wait3A_396 = tpu.memref_slice %arg6[%dma_wait3A_393, %dma_wait3A_394, %dma_wait3A_395] : memref<4x104x128xf32, #tpu.memory_space<vmem>> -> memref<1x50x64xf32, #tpu.memory_space<vmem>>
    %dma_wait3A_397 = tpu.memref_squeeze %dma_wait3A_396 : memref<1x50x64xf32, #tpu.memory_space<vmem>> -> memref<50x64xf32, #tpu.memory_space<vmem>>
    %dma_wait3A_398 = arith.constant 0 : i32
    %dma_wait3A_399 = arith.constant 0 : i32
    %dma_wait3A_400 = tpu.memref_slice %arg4[%add3A_358, %dma_wait3A_398, %dma_wait3A_399] : memref<16384x56x128xf32, #tpu.memory_space<hbm>> -> memref<1x50x64xf32, #tpu.memory_space<hbm>>
    %dma_wait3A_401 = tpu.memref_squeeze %dma_wait3A_400 : memref<1x50x64xf32, #tpu.memory_space<hbm>> -> memref<50x64xf32, #tpu.memory_space<hbm>>
    %dma_wait3A_402 = arith.constant 0 : i32
    %dma_wait3A_403 = arith.constant 0 : i32
    %dma_wait3A_404 = tpu.memref_slice %arg4[%add3A_358, %dma_wait3A_402, %dma_wait3A_403] : memref<16384x56x128xf32, #tpu.memory_space<hbm>> -> memref<1x50x64xf32, #tpu.memory_space<hbm>>
    %dma_wait3A_405 = tpu.memref_squeeze %dma_wait3A_404 : memref<1x50x64xf32, #tpu.memory_space<hbm>> -> memref<50x64xf32, #tpu.memory_space<hbm>>
    %dma_wait3A_406 = arith.constant 50 : i32
    %dma_wait3A_407 = arith.constant 0 : i32
    %dma_wait3A_408 = tpu.memref_slice %arg6[%dma_wait3A_393, %dma_wait3A_406, %dma_wait3A_407] : memref<4x104x128xf32, #tpu.memory_space<vmem>> -> memref<1x50x64xf32, #tpu.memory_space<vmem>>
    %dma_wait3A_409 = tpu.memref_squeeze %dma_wait3A_408 : memref<1x50x64xf32, #tpu.memory_space<vmem>> -> memref<50x64xf32, #tpu.memory_space<vmem>>
    tpu.wait_dma2 semaphore(%arg14 : memref<!tpu.dma_semaphore, #tpu.memory_space<semaphore_mem>>) src(%dma_wait3A_409 : memref<50x64xf32, #tpu.memory_space<vmem>>) dst(%dma_wait3A_405 : memref<50x64xf32, #tpu.memory_space<hbm>>)
    return
  }
}

</mosaic_0001>

<sc_bundles>
// kernel: kernel.3.cloned.1.call-start
scs
__scs_entry_jumppad:
0x0: {  	(pc) =	sbr.rel $0x88, $3  }
0x1: {  	(tag) =	ssettag $0x0;
	lr =	simm.s32 $0x1  }
0x2: {  	[smem:$0x3F9F] =	sst lr;
	_ =	strace $0xD0000000  }
0x3: {  	_ = 	snop  }
0x4: {  	_ = 	snop  }
0x5: {  	_ = 	snop  }
0x6: {  	_ = 	snop  }
0x7: {  	_ = 	snop  }
__scs_overlays_trampoline_lowered:
0x8: {  	[smem:$0x3FAE] =	sst s0  }
0x9: {  	[smem:$0x3FAF] =	sst s1  }
0xa: {  	[smem:$0x3FB0] =	sst s2  }
0xb: {  	[smem:$0x3FB1] =	sst s3  }
0xc: {  	[smem:$0x3FB2] =	sst s4  }
0xd: {  	[smem:$0x3FB3] =	sst s5  }
0xe: {  	[smem:$0x3FB4] =	sst s6  }
0xf: {  	[smem:$0x3FB5] =	sst s7  }
0x10: {  	[smem:$0x3FB6] =	sst s8  }
0x11: {  	[smem:$0x3FB7] =	sst s9;
	s0 =	simm.s32 @!p0 $0x0  }
0x12: {  	s1 =	sld [smem:$0x3F9D];
	s0 =	simm.s32 @p0 $0x1  }
0x13: {  	[smem:$0x3FB8] =	sst s0;
	s0 =	simm.s32 @!p1 $0x0  }
0x14: {  	s2 =	sld [smem:$0x3F9C];
	s0 =	simm.s32 @p1 $0x1  }
0x15: {  	[smem:$0x3FB9] =	sst s0;
	s0 =	simm.s32 @!p2 $0x0  }
0x16: {  	s3 =	sld [smem:$0x3FDB];
	s0 =	simm.s32 @p2 $0x1  }
0x17: {  	s4 =	simm.s32 $0x1BF5;
	[smem:$0x3FBB] =	sst s0  }
0x18: {  	s0 =	sld [smem:$0x3F9E];
	_ =	swait.ge [sflag:s4], $0x0  }
0x19: {  	s7 =	sld [smem:$0x3F9F]  }
0x1a: {  	s8 =	sadd.s32 $0xFFFFE003, lr  }
0x1b: {  	s9 =	sadd.s32 $0xFFFFFEF7, lr;
	s5 =	simm.s32 $0xFFFFFFFF;
	p2 =	slt.u32 s8, $0xFFFFF086  }
0x1c: {  	p1 =	slt.u32 s9, $0xF7A;
	s5 =	simm.s32 @!p2 $0x0  }
0x1d: {  	s5 =	simm.s32 @p1 $0x1;
	p0 =	seq.s32 s7, s2  }
0x1e: {  	s7 =	smul.u32 @!p0 $0xF7A, s2;
	p2 =	seq.s32 @!p0 s5, $0x0  }
0x1f: {  	s9 =	smul.u32 $0xF7A, s1;
	s8 =	simm.s32 @!p0 $0x1BF5;
	p2 =	por !p2, p0  }
0x20: {  	[sflag:s8] =	ssyncset.s32 @!p0 $0xFFFFF086;
	s6 =	sadd.s32 @!p0 s3, s7;
	s7 =	simm.s32 @!p0 $0x108  }
0x21: {  	s3 =	sadd.s32 s3, s9;
	s6 =	sadd.s32 @!p0 $0x88, s6;
	s7 =	simm.s32 @p2 $0x1082  }
0x22: {  	[simem:s7], [sflag:s8] =	dma.local @!p0 [hbm:s6], $0xF7A  }
0x23: {  	s9 =	sor.u32 $0xD0000000, s2;
	s6 =	simm.s32 $0x108;
	_ =	swait.ge @!p0 [sflag:s8], $0x0  }
0x24: {  	s3 =	sadd.s32 $0x88, s3;
	s6 =	simm.s32 @!p1 $0x1082;
	[sflag:s4] =	ssyncset.s32 $0xFFFFF086  }
0x25: {  	[simem:s6], [sflag:s4] =	dma.local [hbm:s3], $0xF7A  }
0x26: {  	[smem:$0x3F9F] =	sst s1;
	(tag) =	ssettag s2;
	_ =	strace s9  }
0x27: {  	s1 =	sld [smem:$0x3FAF]  }
0x28: {  	s2 =	sld [smem:$0x3FB0]  }
0x29: {  	s4 =	sld [smem:$0x3FB2]  }
0x2a: {  	p0 =	seq.s32 s5, $0x0;
	s5 =	sld [smem:$0x3FB3]  }
0x2b: {  	s6 =	sld [smem:$0x3FB4]  }
0x2c: {  	s7 =	sld [smem:$0x3FB5]  }
0x2d: {  	s3 =	simm.s32 $0x108;
	s8 =	sld [smem:$0x3FB6]  }
0x2e: {  	s3 =	simm.s32 @!p0 $0x1082;
	s9 =	sld [smem:$0x3FB7]  }
0x2f: {  	lr =	sadd.s32 s0, s3;
	s0 =	sld [smem:$0x3FAE]  }
0x30: {  	s3 =	sld [smem:$0x3FB1]  }
0x31: {  	[smem:$0x3FBA] =	sst s10  }
0x32: {  	s10 =	sld [smem:$0x3FB8];
	_ =	sdelay $0x3  }
0x33: {  	p0 =	seq.s32 s10, $0x1;
	s10 =	sld [smem:$0x3FBA];
	_ =	sdelay $0x3  }
0x34: {  	[smem:$0x3FBA] =	sst s10  }
0x35: {  	s10 =	sld [smem:$0x3FB9];
	_ =	sdelay $0x3  }
0x36: {  	p1 =	seq.s32 s10, $0x1;
	s10 =	sld [smem:$0x3FBA];
	_ =	sdelay $0x3  }
0x37: {  	[smem:$0x3FBA] =	sst s10  }
0x38: {  	s10 =	sld [smem:$0x3FBB]  }
0x39: {  	_ = 	snop;
	(pc) =	sbr.ind lr, $3  }
0x3a: {  	_ = 	snop  }
0x3b: {  	_ = 	snop  }
0x3c: {  	p2 =	seq.s32 s10, $0x1;
	s10 =	sld [smem:$0x3FBA]  }
0x3d: {  	_ =	shalt  }
0x3e: {  	_ =	shalt  }
0x3f: {  	_ =	shalt  }
0x40: {  	_ =	shalt  }
0x41: {  	_ =	shalt  }
0x42: {  	_ =	shalt  }
0x43: {  	_ =	shalt  }
0x44: {  	_ =	shalt  }
0x45: {  	_ =	shalt  }
0x46: {  	_ =	shalt  }
0x47: {  	_ =	shalt  }
0x48: {  	_ =	shalt  }
0x49: {  	_ =	shalt  }
0x4a: {  	_ =	shalt  }
0x4b: {  	_ =	shalt  }
0x4c: {  	_ =	shalt  }
0x4d: {  	_ =	shalt  }
0x4e: {  	_ =	shalt  }
0x4f: {  	_ =	shalt  }
0x50: {  	_ =	shalt  }
0x51: {  	_ =	shalt  }
0x52: {  	_ =	shalt  }
0x53: {  	_ =	shalt  }
0x54: {  	_ =	shalt  }
0x55: {  	_ =	shalt  }
0x56: {  	_ =	shalt  }
0x57: {  	_ =	shalt  }
0x58: {  	_ =	shalt  }
0x59: {  	_ =	shalt  }
0x5a: {  	_ =	shalt  }
0x5b: {  	_ =	shalt  }
0x5c: {  	_ =	shalt  }
0x5d: {  	_ =	shalt  }
0x5e: {  	_ =	shalt  }
0x5f: {  	_ =	shalt  }
0x60: {  	_ =	shalt  }
0x61: {  	_ =	shalt  }
0x62: {  	_ =	shalt  }
0x63: {  	_ =	shalt  }
0x64: {  	_ =	shalt  }
0x65: {  	_ =	shalt  }
0x66: {  	_ =	shalt  }
0x67: {  	_ =	shalt  }
0x68: {  	_ =	shalt  }
0x69: {  	_ =	shalt  }
0x6a: {  	_ =	shalt  }
0x6b: {  	_ =	shalt  }
0x6c: {  	_ =	shalt  }
0x6d: {  	_ =	shalt  }
0x6e: {  	_ =	shalt  }
0x6f: {  	_ =	shalt  }
0x70: {  	_ =	shalt  }
0x71: {  	_ =	shalt  }
0x72: {  	_ =	shalt  }
0x73: {  	_ =	shalt  }
0x74: {  	_ =	shalt  }
0x75: {  	_ =	shalt  }
0x76: {  	_ =	shalt  }
0x77: {  	_ =	shalt  }
0x78: {  	_ =	shalt  }
0x79: {  	_ =	shalt  }
0x7a: {  	_ =	shalt  }
0x7b: {  	_ =	shalt  }
0x7c: {  	_ =	shalt  }
0x7d: {  	_ =	shalt  }
0x7e: {  	_ =	shalt  }
0x7f: {  	_ =	shalt  }
0x80: {  	_ =	shalt  }
0x81: {  	_ =	shalt  }
0x82: {  	_ =	shalt  }
0x83: {  	_ =	shalt  }
0x84: {  	_ =	shalt  }
0x85: {  	_ =	shalt  }
0x86: {  	_ =	shalt  }
0x87: {  	_ =	shalt  }
.Lfunc_end0:
.L_simem_size_0:
called_computation.1_lowered:
.L_overlay_start_0:
0x88: {  	s2 =	sld [smem:$0x3FD9]  }
0x89: {  	s3 =	sld [smem:$0x3FFE];
	_ =	sdelay $0x1  }
0x8a: {  	s1 =	srdreg.scid  }
0x8b: {  	s0 =	sand.u32 $0x1, s1  }
0x8c: {  	s17 =	sshll.u32 s0, $0xA;
	s2 =	sadd.s32 s3, s2  }
0x8d: {  	s2 =	sadd.s32 s2, s17  }
0x8e: {  	[smem:$0x3FC6] =	sst s2  }
0x8f: {  	_ = 	snop  }
0x90: {  	s2 =	sld [smem:$0x3FD0];
	(tm) =	ssettm $0x1  }
0x91: {  	s18 =	sld [smem:$0x3FFB];
	_ =	sdelay $0x3  }
0x92: {  	_ =	strace s18  }
0x93: {  	s3 =	sld [smem:$0x3FFC];
	_ =	sdelay $0x3  }
0x94: {  	_ =	strace s3  }
0x95: {  	s3 =	sld [smem:$0x3FFD];
	_ =	sdelay $0x3  }
0x96: {  	_ =	strace s3  }
0x97: {  	_ =	strace $0x8FFFFFFF  }
0x98: {  	s19 =	sld [smem:$0x3FDB];
	_ =	sdelay $0x1  }
0x99: {  	s4 =	simm.s32 $_scs_section_size  }
0x9a: {  	s5 =	simm.s32 $_size__tile_overlayer_lowered;
	s6 =	simm.s32 $_tile_overlayer_lowered  }
0x9b: {  	s22 =	simm.s32 $0x1BFF;
	s21 =	sshll.u32 s6, $0x1;
	s3 =	sadd.s32 s4, s19  }
0x9c: {  	s7 =	simm.s32 $0x0;
	s20 =	sshll.u32 s5, $0x1;
	s5 =	sadd.s32 s21, s3  }
0x9d: {  	[timem:s7], [sflag:s22] =	dma.local [hbm:s5], s20  }
0x9e: {  	_ =	swait.ge [sflag:s22], s20  }
0x9f: {  	s4 =	ssub.s32 $0x0, s20;
	[sflag:s22] =	ssyncset.done $0x0  }
0xa0: {  	[sflag:s22] =	ssyncadd.s32 s4;
	_ =	sdelay $0x1  }
0xa1: {  	s23 =	simm.s32 $0x1B8B  }
0xa2: {  	_ =	swait.ge [sflag:s23], $0x1  }
0xa3: {  	[sflag:s23] =	ssyncset.done $0x0  }
0xa4: {  	s25 =	simm.s32 $0x1B8E;
	s24 =	sld [smem:$0x3FFE];
	[sflag:s23] =	ssyncadd.s32 $0xFFFFFFFF  }
0xa5: {  	s26 =	simm.s32 $execute0_lowered;
	[smem:$0x3FD2] =	sst s25  }
0xa6: {  	s5 =	sshll.u32 s26, $0x1;
	_ =	strace $0x80000046;
	[dreg:$0x1] =	wrdreg $0xFFFFFFFF  }
0xa7: {  	s28 =	simm.s32 $_size_execute0_lowered;
	s3 =	sadd.s32 s3, s5;
	[dreg:$0x0] =	wrdreg $0x0  }
0xa8: {  	s5 =	sshll.u32 s28, $0x1;
	[dreg:$0x2] =	wrdreg s3  }
0xa9: {  	[dreg:$0x3] =	wrdreg s5  }
0xaa: {  	[dreg:$0x4] =	wrdreg $0xC0  }
0xab: {  	_ =	task [dreg:s7], $0x5FFFF  }
0xac: {  	[dreg:$0x1] =	wrdreg $0xFFFFFFFF  }
0xad: {  	[dreg:$0x0] =	wrdreg $0x60  }
0xae: {  	[dreg:$0x2] =	wrdreg s24  }
0xaf: {  	[dreg:$0x3] =	wrdreg s2  }
0xb0: {  	[dreg:$0x4] =	wrdreg $0x9  }
0xb1: {  	_ =	task.clear_ibuf [dreg:s7], $0x5FFFF;
	_ =	strace $0x90000046  }
0xb2: {  	s29 =	simm.s32 $0x9;
	_ =	strace $0x80000048  }
0xb3: {  	_ =	swait.ge [sflag:s29], $0x1  }
0xb4: {  	[sflag:s29] =	ssyncadd.s32 $0xFFFFFFFF  }
0xb5: {  	_ =	strace $0x90000048  }
0xb6: {  	_ =	sfence  }
0xb7: {  	s30 =	sld [smem:$0x0];
	_ =	sdelay $0x2  }
0xb8: {  	s31 =	sshll.u32 s1, $0xD;
	s1 =	sshrl.u32 s1, $0x2  }
0xb9: {  	s3 =	sand.u32 $0x4000, s31;
	s1 =	sadd.s32 s1, s30  }
0xba: {  	s0 =	sor.u32 s3, s0;
	s1 =	sshll.u32 s1, $0x11  }
0xbb: {  	s0 =	sor.u32 s1, s0  }
0xbc: {  	s0 =	sadd.s32 $0x8F2B, s0  }
0xbd: {  	[sflag:s0] =	ssyncadd.remote.s32 $0x1  }
0xbe: {  	_ =	sfence.sel $0xFFFF  }
0xbf: {  	[dreg:$0x0] =	wrdreg $0xFFFFFFFF;
	(pc) =	sbr.abs _section_cstart, $3  }
0xc0: {  	[dreg:$0x1] =	wrdreg $0xFFFFFFFF  }
0xc1: {  	_ =	task.clear_ibuf [dreg:s7], $0x2FFFF;
	_ =	strace $0x9FFFFFFF  }
0xc2: {  	(tm) =	ssettm $0x7FFFFFFF  }
0xc3: {  	_ =	shalt  }
tec
execute0_lowered:
.L_overlay_start_1:
0x0: {  	(tag) =	ssettag $0x1  }
0x1: {  	s0 =	rddreg [dreg:$0x0]  }
0x2: {  	s1 =	rddreg [dreg:$0x1]  }
0x3: {  	s2 =	srdreg.scid;
	s3 =	stileid.u32  }
0x4: {  	s18 =	simm.s32 $0x68;
	s28 =	simm.s32 $0x5;
	s29 =	simm.s32 $0x2  }
0x5: {  	s30 =	simm.s32 $0x6;
	s31 =	simm.s32 $0x3;
	s20 =	simm.s32 $0x8  }
0x6: {  	s16 =	simm.s32 $0x0;
	s4 =	sand.u32 $0x1, s2;
	s2 =	simm.s32 $0x0  }
0x7: {  	s3 =	sshll.u32 s3, $0x9;
	s5 =	sshll.u32 s4, $0x8;
	[smem:$0x7FF] =	sst s2  }
0x8: {  	s6 =	ssub.s32 $0x2, s4;
	s4 =	sadd.s32 $0xF63400, s0;
	s3 =	sor.u32 s5, s3  }
0x9: {  	_ =	strace $0x80000047;
	s8 =	sshrl.u32 s6, $0x1;
	s24 =	sshll.u32 s3, $0x4  }
0xa: {  	s7 =	smul.u32 $0x3800, s3;
	s6 =	ssub.s32 s6, s8;
	s1 =	sadd.s32 s1, s24  }
0xb: {  	s5 =	sadd.s32 $0x1000, s0;
	s26 =	smax.u32 s6, $0x1;
	[dreg:$0x3] =	wrdreg s1  }
0xc: {  	s9 =	sshrl.u32 s7, $0x3;
	s7 =	sadd.s32 $0x1380, s0;
	[dreg:$0x4] =	wrdreg s26  }
0xd: {  	s26 =	simm.s32 $0x1;
	s0 =	simm.s32 $0x7;
	s25 =	sadd.s32 s5, s9  }
0xe: {  	s1 =	simm.s32 $0x4;
	s8 =	sadd.s32 $0x6E400, s25;
	s9 =	sadd.s32 $0x6E780, s25  }
0xf: {  	s10 =	sadd.s32 $0x6EB00, s25;
	s11 =	sadd.s32 $0x6EE80, s25;
	s12 =	sadd.s32 $0x6F200, s25  }
0x10: {  	s13 =	sadd.s32 $0x6F580, s25;
	s14 =	sadd.s32 $0x6F900, s25;
	s15 =	sadd.s32 $0x6FC80, s25  }
.LBB2_1:
0x11: {  	[dreg:$0x5] =	wrdreg s16  }
0x12: {  	s6 =	rddreg [dreg:$0x3];
	s16 =	simm.s32 $0x9  }
0x13: {  	[tilespmem:s2], [sflag:$0x9] =	stream.linear.gather [hbm4b:s6+s2], $0x8000, $0x38;
	[tilespmem:$0x15000] =	vst v63  }
0x14: {  	_ =	swait.ge [sflag:s16], $0x8000  }
0x15: {  	[sflag:s16] =	ssyncset.done $0x0  }
0x16: {  	s17 =	simm.s32 $0x8000;
	[sflag:s16] =	ssyncadd.s32 $0xFFFF8000  }
0x17: {  	[tilespmem:s17], [sflag:$0x1] =	stream.indirect.gather [hbm4b:s4+s18], $0x80, s2, s18, $0xb8;
	[tilespmem:$0x15000] =	vst v63  }
0x18: {  	s19 =	simm.s32 $0x80;
	s21 =	simm.s32 $0xB400  }
0x19: {  	[tilespmem:s21], [sflag:$0x2] =	stream.indirect.gather [hbm4b:s4+s18], $0x80, s19, s18, $0xb8;
	[tilespmem:$0x15000] =	vst v63  }
0x1a: {  	s22 =	simm.s32 $0x100;
	s23 =	simm.s32 $0xE800  }
0x1b: {  	[tilespmem:s23], [sflag:$0x3] =	stream.indirect.gather [hbm4b:s4+s18], $0x80, s22, s18, $0xb8;
	[tilespmem:$0x15000] =	vst v63  }
0x1c: {  	s24 =	simm.s32 $0x180;
	s25 =	simm.s32 $0x11C00  }
0x1d: {  	[tilespmem:s25], [sflag:$0x4] =	stream.indirect.gather [hbm4b:s4+s18], $0x80, s24, s18, $0xb8;
	[tilespmem:$0x15000] =	vst v63  }
0x1e: {  	s24 =	simm.s32 $0x0  }
.LBB2_2:
0x1f: {  	s6 =	sshll.u32 s24, $0x2  }
0x20: {  	s16 =	sor.u32 s3, s6  }
0x21: {  	s6 =	smul.u32 $0x700, s16  }
0x22: {  	_ =	swait.ge [sflag:s26], $0x3400;
	s19 =	simm.s32 $0x8000  }
0x23: {  	s22 =	simm.s32 $0x10;
	[sflag:s26] =	ssyncset.done $0x0;
	s17 =	sadd.s32 s5, s6  }
0x24: {  	s21 =	simm.s32 $0x8080;
	[sflag:s26] =	ssyncadd.s32 $0xFFFFCC00;
	s23 =	sadd.s32 $0x0, s17  }
.LBB2_3:
0x25: {  	[hbm4b:s23+s2] =	stream.linear.scatter [tilespmem:s19], [sflag:$0x5], $0x40, $0x38;
	[tilespmem:$0x15000] =	vst v63  }
0x26: {  	s23 =	smov.u32 s22;
	s19 =	smov.u32 s21;
	p0 =	sne.s32 s22, $0x310  }
.Ltmp0:
0x27: {  	s22 =	sadd.s32 $0x10, s22;
	(pc) =	sbr.rel @p0 .LBB2_3-.Ltmp0, $2  }
0x28: {  	_ =	sdelay $0x2  }
0x29: {  	s21 =	sadd.s32 $0x80, s21;
	s23 =	sadd.s32 s23, s17  }
0x2a: {  	[hbm4b:s23+s2] =	stream.linear.scatter [tilespmem:s19], [sflag:$0x5], $0x40, $0x38;
	[tilespmem:$0x15000] =	vst v63  }
0x2b: {  	s6 =	sadd.s32 s6, s7;
	s17 =	simm.s32 $0x9900  }
0x2c: {  	s19 =	simm.s32 $0x10;
	s21 =	simm.s32 $0x9980;
	s22 =	sadd.s32 $0x0, s6  }
.LBB2_5:
0x2d: {  	[hbm4b:s22+s2] =	stream.linear.scatter [tilespmem:s17], [sflag:$0x5], $0x40, $0x38;
	[tilespmem:$0x15000] =	vst v63  }
0x2e: {  	s22 =	smov.u32 s19;
	s17 =	smov.u32 s21;
	p0 =	sne.s32 s19, $0x310  }
.Ltmp1:
0x2f: {  	s19 =	sadd.s32 $0x10, s19;
	(pc) =	sbr.rel @p0 .LBB2_5-.Ltmp1, $2  }
0x30: {  	_ =	sdelay $0x2  }
0x31: {  	s21 =	sadd.s32 $0x80, s21;
	s22 =	sadd.s32 s22, s6  }
0x32: {  	[hbm4b:s22+s2] =	stream.linear.scatter [tilespmem:s17], [sflag:$0x5], $0x40, $0x38;
	[tilespmem:$0x15000] =	vst v63  }
0x33: {  	_ =	swait.ge [sflag:s28], $0xC80  }
0x34: {  	[sflag:s28] =	ssyncset.done $0x0  }
0x35: {  	[sflag:s28] =	ssyncadd.s32 $0xFFFFF380  }
0x36: {  	s6 =	sshll.u32 s24, $0x9;
	s19 =	simm.s32 $0x8000;
	_ =	swait.ge [sflag:s28], $0xC80  }
0x37: {  	s17 =	sor.u32 $0x1, s16;
	s6 =	sand.u32 $0x3FFFFE00, s6;
	[sflag:s28] =	ssyncset.done $0x0  }
0x38: {  	s25 =	smul.u32 $0x700, s17;
	s23 =	sadd.s32 $0x200, s6;
	[sflag:s28] =	ssyncadd.s32 $0xFFFFF380  }
0x39: {  	[tilespmem:s19], [sflag:$0x1] =	stream.indirect.gather [hbm4b:s4+s18], $0x80, s23, s18, $0xb8;
	[tilespmem:$0x15000] =	vst v63  }
0x3a: {  	s22 =	sadd.s32 s5, s25;
	_ =	swait.ge [sflag:s29], $0x3400  }
0x3b: {  	s21 =	simm.s32 $0x10;
	s25 =	sadd.s32 $0x0, s22;
	[sflag:s29] =	ssyncset.done $0x0  }
0x3c: {  	s19 =	simm.s32 $0xB400;
	s23 =	simm.s32 $0xB480;
	[sflag:s29] =	ssyncadd.s32 $0xFFFFCC00  }
.LBB2_7:
0x3d: {  	[hbm4b:s25+s2] =	stream.linear.scatter [tilespmem:s19], [sflag:$0x6], $0x40, $0x38;
	[tilespmem:$0x15000] =	vst v63  }
0x3e: {  	s25 =	smov.u32 s21;
	s19 =	smov.u32 s23;
	p0 =	sne.s32 s21, $0x310  }
.Ltmp2:
0x3f: {  	s21 =	sadd.s32 $0x10, s21;
	(pc) =	sbr.rel @p0 .LBB2_7-.Ltmp2, $2  }
0x40: {  	_ =	sdelay $0x2  }
0x41: {  	s23 =	sadd.s32 $0x80, s23;
	s25 =	sadd.s32 s25, s22  }
0x42: {  	s17 =	smul.u32 $0x3800, s17  }
0x43: {  	[hbm4b:s25+s2] =	stream.linear.scatter [tilespmem:s19], [sflag:$0x6], $0x40, $0x38;
	[tilespmem:$0x15000] =	vst v63  }
0x44: {  	s17 =	sshrl.u32 s17, $0x3  }
0x45: {  	s17 =	sadd.s32 s5, s17  }
0x46: {  	s19 =	simm.s32 $0xCD00;
	s17 =	sadd.s32 $0x380, s17  }
0x47: {  	s21 =	simm.s32 $0x10;
	s22 =	simm.s32 $0xCD80;
	s23 =	sadd.s32 $0x0, s17  }
.LBB2_9:
0x48: {  	[hbm4b:s23+s2] =	stream.linear.scatter [tilespmem:s19], [sflag:$0x6], $0x40, $0x38;
	[tilespmem:$0x15000] =	vst v63  }
0x49: {  	s23 =	smov.u32 s21;
	s19 =	smov.u32 s22;
	p0 =	sne.s32 s21, $0x310  }
.Ltmp3:
0x4a: {  	s21 =	sadd.s32 $0x10, s21;
	(pc) =	sbr.rel @p0 .LBB2_9-.Ltmp3, $2  }
0x4b: {  	_ =	sdelay $0x2  }
0x4c: {  	s22 =	sadd.s32 $0x80, s22;
	s23 =	sadd.s32 s23, s17  }
0x4d: {  	[hbm4b:s23+s2] =	stream.linear.scatter [tilespmem:s19], [sflag:$0x6], $0x40, $0x38;
	[tilespmem:$0x15000] =	vst v63  }
0x4e: {  	_ =	swait.ge [sflag:s30], $0xC80  }
0x4f: {  	[sflag:s30] =	ssyncset.done $0x0  }
0x50: {  	[sflag:s30] =	ssyncadd.s32 $0xFFFFF380  }
0x51: {  	_ =	swait.ge [sflag:s30], $0xC80  }
0x52: {  	[sflag:s30] =	ssyncset.done $0x0  }
0x53: {  	s17 =	sadd.s32 $0x280, s6;
	s23 =	simm.s32 $0xB400;
	[sflag:s30] =	ssyncadd.s32 $0xFFFFF380  }
0x54: {  	[tilespmem:s23], [sflag:$0x2] =	stream.indirect.gather [hbm4b:s4+s18], $0x80, s17, s18, $0xb8;
	[tilespmem:$0x15000] =	vst v63  }
0x55: {  	s17 =	sor.u32 $0x2, s16  }
0x56: {  	s25 =	smul.u32 $0x700, s17  }
0x57: {  	s19 =	simm.s32 $0xE800;
	_ =	swait.ge [sflag:s31], $0x3400  }
0x58: {  	s21 =	simm.s32 $0x10;
	[sflag:s31] =	ssyncset.done $0x0;
	s22 =	sadd.s32 s5, s25  }
0x59: {  	s23 =	simm.s32 $0xE880;
	[sflag:s31] =	ssyncadd.s32 $0xFFFFCC00;
	s25 =	sadd.s32 $0x0, s22  }
.LBB2_11:
0x5a: {  	[hbm4b:s25+s2] =	stream.linear.scatter [tilespmem:s19], [sflag:$0x7], $0x40, $0x38;
	[tilespmem:$0x15000] =	vst v63  }
0x5b: {  	s25 =	smov.u32 s21;
	s19 =	smov.u32 s23;
	p0 =	sne.s32 s21, $0x310  }
.Ltmp4:
0x5c: {  	s21 =	sadd.s32 $0x10, s21;
	(pc) =	sbr.rel @p0 .LBB2_11-.Ltmp4, $2  }
0x5d: {  	_ =	sdelay $0x2  }
0x5e: {  	s23 =	sadd.s32 $0x80, s23;
	s25 =	sadd.s32 s25, s22  }
0x5f: {  	s17 =	smul.u32 $0x3800, s17  }
0x60: {  	[hbm4b:s25+s2] =	stream.linear.scatter [tilespmem:s19], [sflag:$0x7], $0x40, $0x38;
	[tilespmem:$0x15000] =	vst v63  }
0x61: {  	s17 =	sshrl.u32 s17, $0x3  }
0x62: {  	s17 =	sadd.s32 s5, s17  }
0x63: {  	s19 =	simm.s32 $0x10100;
	s17 =	sadd.s32 $0x380, s17  }
0x64: {  	s21 =	simm.s32 $0x10;
	s22 =	simm.s32 $0x10180;
	s23 =	sadd.s32 $0x0, s17  }
.LBB2_13:
0x65: {  	[hbm4b:s23+s2] =	stream.linear.scatter [tilespmem:s19], [sflag:$0x7], $0x40, $0x38;
	[tilespmem:$0x15000] =	vst v63  }
0x66: {  	s23 =	smov.u32 s21;
	s19 =	smov.u32 s22;
	p0 =	sne.s32 s21, $0x310  }
.Ltmp5:
0x67: {  	s21 =	sadd.s32 $0x10, s21;
	(pc) =	sbr.rel @p0 .LBB2_13-.Ltmp5, $2  }
0x68: {  	_ =	sdelay $0x2  }
0x69: {  	s22 =	sadd.s32 $0x80, s22;
	s23 =	sadd.s32 s23, s17  }
0x6a: {  	[hbm4b:s23+s2] =	stream.linear.scatter [tilespmem:s19], [sflag:$0x7], $0x40, $0x38;
	[tilespmem:$0x15000] =	vst v63  }
0x6b: {  	_ =	swait.ge [sflag:s0], $0xC80  }
0x6c: {  	[sflag:s0] =	ssyncset.done $0x0  }
0x6d: {  	[sflag:s0] =	ssyncadd.s32 $0xFFFFF380  }
0x6e: {  	_ =	swait.ge [sflag:s0], $0xC80  }
0x6f: {  	s17 =	sadd.s32 $0x300, s6;
	s16 =	sor.u32 $0x3, s16;
	[sflag:s0] =	ssyncset.done $0x0  }
0x70: {  	s23 =	simm.s32 $0xE800;
	s25 =	smul.u32 $0x700, s16;
	[sflag:s0] =	ssyncadd.s32 $0xFFFFF380  }
0x71: {  	[tilespmem:s23], [sflag:$0x3] =	stream.indirect.gather [hbm4b:s4+s18], $0x80, s17, s18, $0xb8;
	[tilespmem:$0x15000] =	vst v63  }
0x72: {  	s19 =	simm.s32 $0x11C00;
	_ =	swait.ge [sflag:s1], $0x3400  }
0x73: {  	s21 =	simm.s32 $0x10;
	s17 =	sadd.s32 s5, s25;
	[sflag:s1] =	ssyncset.done $0x0  }
0x74: {  	s22 =	simm.s32 $0x11C80;
	s23 =	sadd.s32 $0x0, s17;
	[sflag:s1] =	ssyncadd.s32 $0xFFFFCC00  }
.LBB2_15:
0x75: {  	[hbm4b:s23+s2] =	stream.linear.scatter [tilespmem:s19], [sflag:$0x8], $0x40, $0x38;
	[tilespmem:$0x15000] =	vst v63  }
0x76: {  	s23 =	smov.u32 s21;
	s19 =	smov.u32 s22;
	p0 =	sne.s32 s21, $0x310  }
.Ltmp6:
0x77: {  	s21 =	sadd.s32 $0x10, s21;
	(pc) =	sbr.rel @p0 .LBB2_15-.Ltmp6, $2  }
0x78: {  	_ =	sdelay $0x2  }
0x79: {  	s22 =	sadd.s32 $0x80, s22;
	s23 =	sadd.s32 s23, s17  }
0x7a: {  	s16 =	smul.u32 $0x3800, s16  }
0x7b: {  	[hbm4b:s23+s2] =	stream.linear.scatter [tilespmem:s19], [sflag:$0x8], $0x40, $0x38;
	[tilespmem:$0x15000] =	vst v63  }
0x7c: {  	s16 =	sshrl.u32 s16, $0x3  }
0x7d: {  	s16 =	sadd.s32 s5, s16  }
0x7e: {  	s17 =	simm.s32 $0x13500;
	s16 =	sadd.s32 $0x380, s16  }
0x7f: {  	s19 =	simm.s32 $0x10;
	s21 =	simm.s32 $0x13580;
	s22 =	sadd.s32 $0x0, s16  }
.LBB2_17:
0x80: {  	[hbm4b:s22+s2] =	stream.linear.scatter [tilespmem:s17], [sflag:$0x8], $0x40, $0x38;
	[tilespmem:$0x15000] =	vst v63  }
0x81: {  	s22 =	smov.u32 s19;
	s17 =	smov.u32 s21;
	p0 =	sne.s32 s19, $0x310  }
.Ltmp7:
0x82: {  	s19 =	sadd.s32 $0x10, s19;
	(pc) =	sbr.rel @p0 .LBB2_17-.Ltmp7, $2  }
0x83: {  	_ =	sdelay $0x2  }
0x84: {  	s21 =	sadd.s32 $0x80, s21;
	s22 =	sadd.s32 s22, s16  }
0x85: {  	[hbm4b:s22+s2] =	stream.linear.scatter [tilespmem:s17], [sflag:$0x8], $0x40, $0x38;
	[tilespmem:$0x15000] =	vst v63  }
0x86: {  	s24 =	sadd.s32 $0x1, s24;
	_ =	swait.ge [sflag:s20], $0xC80  }
0x87: {  	p0 =	sne.s32 s24, $0x3F;
	[sflag:s20] =	ssyncset.done $0x0  }
.Ltmp8:
0x88: {  	[sflag:s20] =	ssyncadd.s32 $0xFFFFF380;
	(pc) =	sbr.rel @p0 .LBB2_2-.Ltmp8, $4  }
0x89: {  	_ =	swait.ge [sflag:s20], $0xC80  }
0x8a: {  	[sflag:s20] =	ssyncset.done $0x0  }
0x8b: {  	s6 =	sadd.s32 $0x380, s6;
	s16 =	simm.s32 $0x11C00;
	[sflag:s20] =	ssyncadd.s32 $0xFFFFF380  }
0x8c: {  	[tilespmem:s16], [sflag:$0x4] =	stream.indirect.gather [hbm4b:s4+s18], $0x80, s6, s18, $0xb8;
	[tilespmem:$0x15000] =	vst v63  }
0x8d: {  	_ =	swait.ge [sflag:s26], $0x3400  }
0x8e: {  	s6 =	simm.s32 $0x8000;
	s16 =	simm.s32 $0x10;
	[sflag:s26] =	ssyncset.done $0x0  }
0x8f: {  	s19 =	sadd.s32 $0x0, s8;
	s17 =	simm.s32 $0x8080;
	[sflag:s26] =	ssyncadd.s32 $0xFFFFCC00  }
.LBB2_20:
0x90: {  	[hbm4b:s19+s2] =	stream.linear.scatter [tilespmem:s6], [sflag:$0x5], $0x40, $0x38;
	[tilespmem:$0x15000] =	vst v63  }
0x91: {  	s19 =	smov.u32 s16;
	s6 =	smov.u32 s17;
	p0 =	sne.s32 s16, $0x310  }
.Ltmp9:
0x92: {  	s16 =	sadd.s32 $0x10, s16;
	(pc) =	sbr.rel @p0 .LBB2_20-.Ltmp9, $2  }
0x93: {  	_ =	sdelay $0x2  }
0x94: {  	s17 =	sadd.s32 $0x80, s17;
	s19 =	sadd.s32 s19, s8  }
0x95: {  	[hbm4b:s19+s2] =	stream.linear.scatter [tilespmem:s6], [sflag:$0x5], $0x40, $0x38;
	[tilespmem:$0x15000] =	vst v63  }
0x96: {  	s6 =	simm.s32 $0x9900  }
0x97: {  	s16 =	simm.s32 $0x10;
	s19 =	sadd.s32 $0x0, s9;
	s17 =	simm.s32 $0x9980  }
.LBB2_22:
0x98: {  	[hbm4b:s19+s2] =	stream.linear.scatter [tilespmem:s6], [sflag:$0x5], $0x40, $0x38;
	[tilespmem:$0x15000] =	vst v63  }
0x99: {  	s19 =	smov.u32 s16;
	s6 =	smov.u32 s17;
	p0 =	sne.s32 s16, $0x310  }
.Ltmp10:
0x9a: {  	s16 =	sadd.s32 $0x10, s16;
	(pc) =	sbr.rel @p0 .LBB2_22-.Ltmp10, $2  }
0x9b: {  	_ =	sdelay $0x2  }
0x9c: {  	s17 =	sadd.s32 $0x80, s17;
	s19 =	sadd.s32 s19, s9  }
0x9d: {  	[hbm4b:s19+s2] =	stream.linear.scatter [tilespmem:s6], [sflag:$0x5], $0x40, $0x38;
	[tilespmem:$0x15000] =	vst v63  }
0x9e: {  	_ =	swait.ge [sflag:s28], $0xC80  }
0x9f: {  	[sflag:s28] =	ssyncset.done $0x0  }
0xa0: {  	[sflag:s28] =	ssyncadd.s32 $0xFFFFF380  }
0xa1: {  	_ =	swait.ge [sflag:s28], $0xC80  }
0xa2: {  	[sflag:s28] =	ssyncset.done $0x0  }
0xa3: {  	[sflag:s28] =	ssyncadd.s32 $0xFFFFF380  }
0xa4: {  	_ =	swait.ge [sflag:s29], $0x3400  }
0xa5: {  	s6 =	simm.s32 $0xB400;
	s16 =	simm.s32 $0x10;
	[sflag:s29] =	ssyncset.done $0x0  }
0xa6: {  	s19 =	sadd.s32 $0x0, s10;
	s17 =	simm.s32 $0xB480;
	[sflag:s29] =	ssyncadd.s32 $0xFFFFCC00  }
.LBB2_24:
0xa7: {  	[hbm4b:s19+s2] =	stream.linear.scatter [tilespmem:s6], [sflag:$0x6], $0x40, $0x38;
	[tilespmem:$0x15000] =	vst v63  }
0xa8: {  	s19 =	smov.u32 s16;
	s6 =	smov.u32 s17;
	p0 =	sne.s32 s16, $0x310  }
.Ltmp11:
0xa9: {  	s16 =	sadd.s32 $0x10, s16;
	(pc) =	sbr.rel @p0 .LBB2_24-.Ltmp11, $2  }
0xaa: {  	_ =	sdelay $0x2  }
0xab: {  	s17 =	sadd.s32 $0x80, s17;
	s19 =	sadd.s32 s19, s10  }
0xac: {  	[hbm4b:s19+s2] =	stream.linear.scatter [tilespmem:s6], [sflag:$0x6], $0x40, $0x38;
	[tilespmem:$0x15000] =	vst v63  }
0xad: {  	s6 =	simm.s32 $0xCD00  }
0xae: {  	s16 =	simm.s32 $0x10;
	s19 =	sadd.s32 $0x0, s11;
	s17 =	simm.s32 $0xCD80  }
.LBB2_26:
0xaf: {  	[hbm4b:s19+s2] =	stream.linear.scatter [tilespmem:s6], [sflag:$0x6], $0x40, $0x38;
	[tilespmem:$0x15000] =	vst v63  }
0xb0: {  	s19 =	smov.u32 s16;
	s6 =	smov.u32 s17;
	p0 =	sne.s32 s16, $0x310  }
.Ltmp12:
0xb1: {  	s16 =	sadd.s32 $0x10, s16;
	(pc) =	sbr.rel @p0 .LBB2_26-.Ltmp12, $2  }
0xb2: {  	_ =	sdelay $0x2  }
0xb3: {  	s17 =	sadd.s32 $0x80, s17;
	s19 =	sadd.s32 s19, s11  }
0xb4: {  	[hbm4b:s19+s2] =	stream.linear.scatter [tilespmem:s6], [sflag:$0x6], $0x40, $0x38;
	[tilespmem:$0x15000] =	vst v63  }
0xb5: {  	_ =	swait.ge [sflag:s30], $0xC80  }
0xb6: {  	[sflag:s30] =	ssyncset.done $0x0  }
0xb7: {  	[sflag:s30] =	ssyncadd.s32 $0xFFFFF380  }
0xb8: {  	_ =	swait.ge [sflag:s30], $0xC80  }
0xb9: {  	[sflag:s30] =	ssyncset.done $0x0  }
0xba: {  	[sflag:s30] =	ssyncadd.s32 $0xFFFFF380  }
0xbb: {  	_ =	swait.ge [sflag:s31], $0x3400  }
0xbc: {  	s6 =	simm.s32 $0xE800;
	s16 =	simm.s32 $0x10;
	[sflag:s31] =	ssyncset.done $0x0  }
0xbd: {  	s19 =	sadd.s32 $0x0, s12;
	s17 =	simm.s32 $0xE880;
	[sflag:s31] =	ssyncadd.s32 $0xFFFFCC00  }
.LBB2_28:
0xbe: {  	[hbm4b:s19+s2] =	stream.linear.scatter [tilespmem:s6], [sflag:$0x7], $0x40, $0x38;
	[tilespmem:$0x15000] =	vst v63  }
0xbf: {  	s19 =	smov.u32 s16;
	s6 =	smov.u32 s17;
	p0 =	sne.s32 s16, $0x310  }
.Ltmp13:
0xc0: {  	s16 =	sadd.s32 $0x10, s16;
	(pc) =	sbr.rel @p0 .LBB2_28-.Ltmp13, $2  }
0xc1: {  	_ =	sdelay $0x2  }
0xc2: {  	s17 =	sadd.s32 $0x80, s17;
	s19 =	sadd.s32 s19, s12  }
0xc3: {  	[hbm4b:s19+s2] =	stream.linear.scatter [tilespmem:s6], [sflag:$0x7], $0x40, $0x38;
	[tilespmem:$0x15000] =	vst v63  }
0xc4: {  	s6 =	simm.s32 $0x10100  }
0xc5: {  	s16 =	simm.s32 $0x10;
	s19 =	sadd.s32 $0x0, s13;
	s17 =	simm.s32 $0x10180  }
.LBB2_30:
0xc6: {  	[hbm4b:s19+s2] =	stream.linear.scatter [tilespmem:s6], [sflag:$0x7], $0x40, $0x38;
	[tilespmem:$0x15000] =	vst v63  }
0xc7: {  	s19 =	smov.u32 s16;
	s6 =	smov.u32 s17;
	p0 =	sne.s32 s16, $0x310  }
.Ltmp14:
0xc8: {  	s16 =	sadd.s32 $0x10, s16;
	(pc) =	sbr.rel @p0 .LBB2_30-.Ltmp14, $2  }
0xc9: {  	_ =	sdelay $0x2  }
0xca: {  	s17 =	sadd.s32 $0x80, s17;
	s19 =	sadd.s32 s19, s13  }
0xcb: {  	[hbm4b:s19+s2] =	stream.linear.scatter [tilespmem:s6], [sflag:$0x7], $0x40, $0x38;
	[tilespmem:$0x15000] =	vst v63  }
0xcc: {  	_ =	swait.ge [sflag:s0], $0xC80  }
0xcd: {  	[sflag:s0] =	ssyncset.done $0x0  }
0xce: {  	[sflag:s0] =	ssyncadd.s32 $0xFFFFF380  }
0xcf: {  	_ =	swait.ge [sflag:s0], $0xC80  }
0xd0: {  	[sflag:s0] =	ssyncset.done $0x0  }
0xd1: {  	[sflag:s0] =	ssyncadd.s32 $0xFFFFF380  }
0xd2: {  	_ =	swait.ge [sflag:s1], $0x3400  }
0xd3: {  	s6 =	simm.s32 $0x11C00;
	s16 =	simm.s32 $0x10;
	[sflag:s1] =	ssyncset.done $0x0  }
0xd4: {  	s19 =	sadd.s32 $0x0, s14;
	s17 =	simm.s32 $0x11C80;
	[sflag:s1] =	ssyncadd.s32 $0xFFFFCC00  }
.LBB2_32:
0xd5: {  	[hbm4b:s19+s2] =	stream.linear.scatter [tilespmem:s6], [sflag:$0x8], $0x40, $0x38;
	[tilespmem:$0x15000] =	vst v63  }
0xd6: {  	s19 =	smov.u32 s16;
	s6 =	smov.u32 s17;
	p0 =	sne.s32 s16, $0x310  }
.Ltmp15:
0xd7: {  	s16 =	sadd.s32 $0x10, s16;
	(pc) =	sbr.rel @p0 .LBB2_32-.Ltmp15, $2  }
0xd8: {  	_ =	sdelay $0x2  }
0xd9: {  	s17 =	sadd.s32 $0x80, s17;
	s19 =	sadd.s32 s19, s14  }
0xda: {  	[hbm4b:s19+s2] =	stream.linear.scatter [tilespmem:s6], [sflag:$0x8], $0x40, $0x38;
	[tilespmem:$0x15000] =	vst v63  }
0xdb: {  	s6 =	simm.s32 $0x13500  }
0xdc: {  	s16 =	simm.s32 $0x10;
	s19 =	sadd.s32 $0x0, s15;
	s17 =	simm.s32 $0x13580  }
.LBB2_34:
0xdd: {  	[hbm4b:s19+s2] =	stream.linear.scatter [tilespmem:s6], [sflag:$0x8], $0x40, $0x38;
	[tilespmem:$0x15000] =	vst v63  }
0xde: {  	s19 =	smov.u32 s16;
	s6 =	smov.u32 s17;
	p0 =	sne.s32 s16, $0x310  }
.Ltmp16:
0xdf: {  	s16 =	sadd.s32 $0x10, s16;
	(pc) =	sbr.rel @p0 .LBB2_34-.Ltmp16, $2  }
0xe0: {  	_ =	sdelay $0x2  }
0xe1: {  	s17 =	sadd.s32 $0x80, s17;
	s19 =	sadd.s32 s19, s15  }
0xe2: {  	[hbm4b:s19+s2] =	stream.linear.scatter [tilespmem:s6], [sflag:$0x8], $0x40, $0x38;
	[tilespmem:$0x15000] =	vst v63  }
0xe3: {  	_ =	swait.ge [sflag:s20], $0xC80  }
0xe4: {  	[sflag:s20] =	ssyncset.done $0x0  }
0xe5: {  	[sflag:s20] =	ssyncadd.s32 $0xFFFFF380  }
0xe6: {  	_ =	swait.ge [sflag:s20], $0xC80  }
0xe7: {  	s16 =	rddreg [dreg:$0x5]  }
0xe8: {  	s25 =	rddreg [dreg:$0x4];
	s16 =	sadd.s32 $0x1, s16  }
0xe9: {  	p0 =	sne.s32 s16, s25  }
.Ltmp17:
0xea: {  	_ = 	snop;
	(pc) =	sbr.rel @p0 .LBB2_1-.Ltmp17, $3  }
0xeb: {  	_ =	sdelay $0x1  }
0xec: {  	[sflag:s20] =	ssyncset.done $0x0  }
0xed: {  	[sflag:s20] =	ssyncadd.s32 $0xFFFFF380  }
0xee: {  	_ =	sfence.sel $0x180000  }
0xef: {  	[bflag:$0x0] =	sbarrier.arrive $0xFFFF  }
0xf0: {  	_ =	strace $0x90000047  }
0xf1: {  	s0 =	stileid.u32;
	[bflag:$0x2] =	sbarrier.arrive $0xFFFF  }
0xf2: {  	p0 =	sne.s32 s0, $0x0;
	s0 =	rddreg [dreg:$0x2]  }
0xf3: {  	s0 =	sadd.s32 @!p0 $0x100000, s0  }
0xf4: {  	[sflag:s0] =	ssyncadd.tile.s32 @!p0 $0x1;
	_ =	shalt  }
.Lfunc_end2:
_tile_overlayer_lowered:
.L_overlay_start_2:
0xf5: {  	(tag) =	ssettag $0x2  }
0xf6: {  	s0 =	rddreg [dreg:$0x0];
	s2 =	stileid.u32  }
0xf7: {  	s1 =	rddreg [dreg:$0x1];
	p0 =	sne.s32 s2, $0x0  }
0xf8: {  	s3 =	rddreg [dreg:$0x2];
	[bflag:$0x3] =	sbarrier.arrive $0xFFFF;
	s2 =	simm.s32 @!p0 $0x1C09  }
0xf9: {  	[timem:s3], [sflag:s2] =	dma.local @!p0 [hbm:s0], s1  }
0xfa: {  	s0 =	simm.s32 @!p0 $0x9  }
0xfb: {  	_ =	swait.ge @!p0 [sflag:s0], s1  }
0xfc: {  	s1 =	ssub.s32 @!p0 $0x0, s1;
	[sflag:s0] =	ssyncset.done @!p0 $0x0  }
0xfd: {  	[sflag:s0] =	ssyncadd.s32 @!p0 s1  }
0xfe: {  	[bflag:$0x3] =	sbarrier.arrive $0xFFFF  }
0xff: {  	_ =	shalt  }

// kernel: sparse-core-data-format-call.cloned.1.call-start
scs
called_computation_lowered:
.L_overlay_start_0:
0x0: {  	s2 =	sld [smem:$0x3FD9]  }
0x1: {  	s3 =	sld [smem:$0x3FFE];
	_ =	sdelay $0x1  }
0x2: {  	s1 =	srdreg.scid  }
0x3: {  	s0 =	sand.u32 $0x1, s1  }
0x4: {  	s18 =	sshll.u32 s0, $0xA;
	s2 =	sadd.s32 s3, s2  }
0x5: {  	s2 =	sadd.s32 s2, s18  }
0x6: {  	[smem:$0x3FC6] =	sst s2  }
0x7: {  	_ = 	snop  }
0x8: {  	s2 =	sld [smem:$0x3FD0];
	(tm) =	ssettm $0x1  }
0x9: {  	s19 =	sld [smem:$0x3FFB];
	_ =	sdelay $0x3  }
0xa: {  	_ =	strace s19  }
0xb: {  	s3 =	sld [smem:$0x3FFC];
	_ =	sdelay $0x3  }
0xc: {  	_ =	strace s3  }
0xd: {  	s3 =	sld [smem:$0x3FFD];
	_ =	sdelay $0x3  }
0xe: {  	_ =	strace s3  }
0xf: {  	_ =	strace $0x8FFFFFFF  }
0x10: {  	s20 =	sld [smem:$0x3FDB];
	_ =	sdelay $0x1  }
0x11: {  	s4 =	simm.s32 $_scs_section_size  }
0x12: {  	s5 =	simm.s32 $_size__tile_overlayer_lowered;
	s6 =	simm.s32 $_tile_overlayer_lowered  }
0x13: {  	s23 =	simm.s32 $0x1BFF;
	s22 =	sshll.u32 s6, $0x1;
	s3 =	sadd.s32 s4, s20  }
0x14: {  	s7 =	simm.s32 $0x0;
	s21 =	sshll.u32 s5, $0x1;
	s5 =	sadd.s32 s22, s3  }
0x15: {  	[timem:s7], [sflag:s23] =	dma.local [hbm:s5], s21  }
0x16: {  	_ =	swait.ge [sflag:s23], s21  }
0x17: {  	s4 =	ssub.s32 $0x0, s21;
	[sflag:s23] =	ssyncset.done $0x0  }
0x18: {  	[sflag:s23] =	ssyncadd.s32 s4;
	_ =	sdelay $0x1  }
0x19: {  	s24 =	simm.s32 $0x1B8B  }
0x1a: {  	_ =	swait.ge [sflag:s24], $0x1  }
0x1b: {  	[sflag:s24] =	ssyncset.done $0x0  }
0x1c: {  	s26 =	simm.s32 $0x1B8E;
	s25 =	sld [smem:$0x3FFE];
	[sflag:s24] =	ssyncadd.s32 $0xFFFFFFFF  }
0x1d: {  	s27 =	simm.s32 $execute0_lowered;
	[smem:$0x3FD2] =	sst s26  }
0x1e: {  	s5 =	sshll.u32 s27, $0x1;
	_ =	strace $0x80000049;
	[dreg:$0x1] =	wrdreg $0xFFFFFFFF  }
0x1f: {  	s28 =	simm.s32 $_size_execute0_lowered;
	s3 =	sadd.s32 s3, s5;
	[dreg:$0x0] =	wrdreg $0x0  }
0x20: {  	s5 =	sshll.u32 s28, $0x1;
	[dreg:$0x2] =	wrdreg s3  }
0x21: {  	[dreg:$0x3] =	wrdreg s5  }
0x22: {  	[dreg:$0x4] =	wrdreg $0xC0  }
0x23: {  	_ =	task [dreg:s7], $0x5FFFF  }
0x24: {  	[dreg:$0x1] =	wrdreg $0xFFFFFFFF  }
0x25: {  	[dreg:$0x0] =	wrdreg $0x60  }
0x26: {  	[dreg:$0x2] =	wrdreg s25  }
0x27: {  	[dreg:$0x3] =	wrdreg s2  }
0x28: {  	[dreg:$0x4] =	wrdreg $0x9  }
0x29: {  	_ =	task.clear_ibuf [dreg:s7], $0x5FFFF;
	_ =	strace $0x90000049  }
0x2a: {  	s29 =	simm.s32 $0x9;
	_ =	strace $0x8000004B  }
0x2b: {  	_ =	swait.ge [sflag:s29], $0x1  }
0x2c: {  	[sflag:s29] =	ssyncadd.s32 $0xFFFFFFFF  }
0x2d: {  	_ =	strace $0x9000004B  }
0x2e: {  	_ =	sfence  }
0x2f: {  	s30 =	sld [smem:$0x0];
	_ =	sdelay $0x2  }
0x30: {  	s31 =	sshll.u32 s1, $0xD;
	s1 =	sshrl.u32 s1, $0x2  }
0x31: {  	s3 =	sand.u32 $0x4000, s31;
	s1 =	sadd.s32 s1, s30  }
0x32: {  	s0 =	sor.u32 s3, s0;
	s1 =	sshll.u32 s1, $0x11  }
0x33: {  	s0 =	sor.u32 s1, s0  }
0x34: {  	s0 =	sadd.s32 $0x8F2B, s0  }
0x35: {  	[sflag:s0] =	ssyncadd.remote.s32 $0x1  }
0x36: {  	_ =	sfence.sel $0xFFFF  }
0x37: {  	[dreg:$0x0] =	wrdreg $0xFFFFFFFF;
	(pc) =	sbr.abs _section_cstart, $3  }
0x38: {  	[dreg:$0x1] =	wrdreg $0xFFFFFFFF  }
0x39: {  	_ =	task.clear_ibuf [dreg:s7], $0x2FFFF;
	_ =	strace $0x9FFFFFFF  }
0x3a: {  	(tm) =	ssettm $0x7FFFFFFF  }
0x3b: {  	_ =	shalt  }
tec
execute0_lowered:
.L_overlay_start_1:
0x0: {  	(tag) =	ssettag $0x1  }
0x1: {  	s0 =	srdreg.scid  }
0x2: {  	s1 =	sshll.u32 s0, $0x4  }
0x3: {  	s0 =	stileid.u32;
	s1 =	sand.u32 $0x10, s1  }
0x4: {  	s1 =	sor.u32 s0, s1  }
0x5: {  	s6 =	rddreg [dreg:$0x0];
	s4 =	simm.s32 $0x1;
	s2 =	sshll.u32 s1, $0x7  }
0x6: {  	s7 =	simm.s32 $0x2;
	s12 =	simm.s32 $0x0;
	s1 =	ssub.s32 $0x4000, s2  }
0x7: {  	s8 =	simm.s32 $0x20000;
	s13 =	simm.s32 $0x0;
	s3 =	sand.u32 $0xF80, s1  }
0x8: {  	s9 =	simm.s32 $0x0;
	s5 =	sshrl.u32 s1, $0xC;
	p0 =	sne.s32 s3, $0x0  }
.Ltmp0:
0x9: {  	s1 =	rddreg [dreg:$0x2];
	s4 =	simm.s32 @!p0 $0x0;
	(pc) =	sbr.rel .LBB1_1-.Ltmp0, $4  }
0xa: {  	s11 =	simm.s32 $0x0;
	s3 =	rddreg [dreg:$0x1];
	s5 =	sadd.s32 s4, s5  }
0xb: {  	_ =	strace $0x8000004A;
	s4 =	simm.s32 $0x1;
	s5 =	smul.u32 $0x32, s5  }
0xc: {  	s6 =	sadd.s32 $0x1000, s6;
	s10 =	smov.u32 s2;
	[sflag:s4] =	ssyncpa.u1 $0x0  }
0xd: {  	p0 =	por $0x0, $0x0;
	[sflag:s7] =	ssyncpa.u1 $0x0;
	s7 =	sor.u32 $0x1, s5  }
.LBB1_4:
0xe: {  	s16 =	sshll.u32 s13, $0x3;
	s17 =	sand.u32 $0x78, s13  }
0xf: {  	s30 =	sand.u32 $0x1F800, s13;
	s12 =	sshll.u32 s12, $0x11;
	s16 =	sand.u32 $0x3C00, s16  }
0x10: {  	[tilespmem:s15+$0x810 ss:$0x81] =	vst.msk $0xffff, v2;
	s31 =	sand.u32 $0x7, s13;
	s16 =	sor.u32 s17, s16;
	s17 =	sadd.s32 s3, s30  }
0x11: {  	[tilespmem:s15+$0x1020 ss:$0x81] =	vst.msk $0xffff, v0;
	s13 =	sshll.u32 s31, $0x12;
	s12 =	sadd.s32 s12, s17;
	s16 =	sshrl.u32 s16, $0x3  }
0x12: {  	[tilespmem:s15+$0x0 ss:$0x81] =	vst.msk $0xffff, v1;
	s13 =	sor.u32 $0x400, s13;
	s12 =	sadd.s32 s16, s12  }
0x13: {  	[hbm4b:s12+s13] =	stream.strided.scatter [tilespmem:s14], [sflag:$0x2], $0x2000, s8, s13, $0x20;
	[tilespmem:$0x8080] =	vst v63  }
.LBB1_5:
0x14: {  	s14 =	sadd.s32 $0x1, s9  }
0x15: {  	s12 =	sadd.s32 $0x1000, s10;
	s16 =	smov.u32 s10;
	p2 =	sgt.s32 s14, $0x31  }
0x16: {  	s16 =	smov.u32 @p2 s12  }
0x17: {  	s14 =	simm.s32 @p2 $0x0;
	p2 =	sgt.s32 s16, $0x3FFF  }
0x18: {  	s16 =	smov.u32 @p2 s2;
	p2 =	sne.s32 s11, s7  }
.Ltmp1:
0x19: {  	p1 =	slt.u32 s11, $0x2;
	(pc) =	sbr.rel @!p2 .LBB1_6-.Ltmp1, $4  }
0x1a: {  	s15 =	simm.s32 @!p1 $0x2  }
0x1b: {  	s13 =	smov.u32 s10;
	p0 =	por !p0, !p0;
	_ =	swait.ge @!p1 [sflag:s15], $0x2000  }
0x1c: {  	s12 =	smov.u32 s9;
	[sflag:s15] =	ssyncset.done @!p1 $0x0;
	s9 =	smov.u32 s14  }
0x1d: {  	s11 =	sadd.s32 $0x1, s11;
	[sflag:s15] =	ssyncadd.s32 @!p1 $0xFFFFE000;
	s10 =	smov.u32 s16  }
.LBB1_1:
0x1e: {  	p1 =	sge.u32 s11, s5  }
0x1f: {  	s14 =	sand.u32 @!p1 $0x1FFFFFF, s9  }
0x20: {  	s15 =	smulhi.u32 @!p1 $0x4924925, s14;
	_ =	sdelay $0x1  }
0x21: {  	s15 =	smul.u32 @!p1 $0x38, s15  }
0x22: {  	s16 =	sxor.u32 @!p1 $0xFFFFFFFF, s11;
	s17 =	smul.u32 @!p1 $0x380, s10  }
0x23: {  	s31 =	sadd.s32 $0xFFFFFFFF, s11;
	s16 =	sshll.u32 @!p1 s16, $0xD;
	s14 =	ssub.s32 @!p1 s14, s15  }
0x24: {  	s15 =	sand.u32 @!p1 $0x2000, s16;
	s16 =	sadd.s32 @!p1 s6, s17;
	s14 =	sshll.u32 @!p1 s14, $0x4  }
0x25: {  	s17 =	simm.s32 @!p1 $0x1C00;
	s14 =	sadd.s32 @!p1 s14, s16;
	s16 =	simm.s32 @!p1 $0x40  }
0x26: {  	[tilespmem:s15], [sflag:$0x1] =	stream.strided.gather @!p1 [hbm4b:s14+s16], $0x2000, s17, s16, $0x38;
	[tilespmem:$0x8080] =	vst v63  }
0x27: {  	p1 =	sge.u32 s31, s5  }
.Ltmp2:
0x28: {  	_ = 	snop;
	(pc) =	sbr.rel @p1 .LBB1_5-.Ltmp2, $1  }
0x29: {  	_ =	sdelay $0x3  }
0x2a: {  	s14 =	simm.s32 $0x1  }
0x2b: {  	_ =	swait.ge [sflag:s4], $0x2000;
	s14 =	simm.s32 @!p0 $0x0  }
0x2c: {  	[sflag:s4] =	ssyncset.done $0x0;
	s15 =	sshll.u32 s14, $0xD  }
0x2d: {  	[sflag:s4] =	ssyncadd.s32 $0xFFFFE000;
	s18 =	sor.u32 $0x20, s15  }
0x2e: {  	s14 =	smul.u32 $0x8100, s14;
	v3 =	vld [tilespmem:s18+$0x10]  }
0x2f: {  	s30 =	sand.u32 $0x1, s11;
	v2 =	vld [tilespmem:s18+$0xFFFFFFF0]  }
0x30: {  	s15 =	smul.u32 $0x8100, s30;
	s14 =	sshrl.u32 s14, $0x2;
	v0 =	vld [tilespmem:s18+$0x0]  }
0x31: {  	v1 =	vld [tilespmem:s18+$0xFFFFFFE0];
	s16 =	sor.u32 $0x4000, s14  }
0x32: {  	s31 =	sshrl.u32 s15, $0x2;
	s15 =	sadd.s32 $0x0, s16  }
0x33: {  	s17 =	simm.s32 $0x4;
	s18 =	sadd.s32 $0x40, s18;
	s14 =	sor.u32 $0x4000, s31;
	[tilespmem:s15+$0x1830 ss:$0x81] =	vst.msk $0xffff, v3  }
.LBB1_3:
0x34: {  	v3 =	vld [tilespmem:s18+$0x10];
	p1 =	sne.s32 s17, $0x1FC;
	[tilespmem:s15+$0x810 ss:$0x81] =	vst.msk $0xffff, v2;
	s19 =	smov.u32 s17;
	s17 =	sadd.s32 $0x4, s17  }
.Ltmp3:
0x35: {  	v2 =	vld [tilespmem:s18+$0xFFFFFFF0];
	[tilespmem:s15+$0x1020 ss:$0x81] =	vst.msk $0xffff, v0;
	(pc) =	sbr.rel @p1 .LBB1_3-.Ltmp3, $4  }
0x36: {  	v0 =	vld [tilespmem:s18+$0x0];
	[tilespmem:s15+$0x0 ss:$0x81] =	vst.msk $0xffff, v1  }
0x37: {  	s15 =	sshra.s32 s19, $0x2;
	v1 =	vld [tilespmem:s18+$0xFFFFFFE0]  }
0x38: {  	s15 =	sadd.s32 s15, s16  }
0x39: {  	s18 =	sadd.s32 $0x40, s18;
	[tilespmem:s15+$0x1830 ss:$0x81] =	vst.msk $0xffff, v3  }
.Ltmp4:
0x3a: {  	_ = 	snop;
	(pc) =	sbr.rel .LBB1_4-.Ltmp4, $1  }
0x3b: {  	_ =	sdelay $0x3  }
.LBB1_6:
0x3c: {  	_ =	sfence.sel $0x180000  }
0x3d: {  	s2 =	simm.s32 $0x1;
	[bflag:$0x0] =	sbarrier.arrive $0xFFFF  }
0x3e: {  	s31 =	simm.s32 $0x2;
	[sflag:s2] =	ssyncpa.u1 $0x1  }
0x3f: {  	[sflag:s31] =	ssyncpa.u1 $0x1  }
0x40: {  	p0 =	sne.s32 s0, $0x0;
	_ =	strace $0x9000004A  }
0x41: {  	s0 =	sadd.s32 @!p0 $0x100000, s1;
	[bflag:$0x2] =	sbarrier.arrive $0xFFFF  }
0x42: {  	[sflag:s0] =	ssyncadd.tile.s32 @!p0 $0x1;
	_ =	shalt  }
.Lfunc_end1:
_tile_overlayer_lowered:
.L_overlay_start_2:
0x43: {  	(tag) =	ssettag $0x2  }
0x44: {  	s0 =	rddreg [dreg:$0x0];
	s2 =	stileid.u32  }
0x45: {  	s1 =	rddreg [dreg:$0x1];
	p0 =	sne.s32 s2, $0x0  }
0x46: {  	s3 =	rddreg [dreg:$0x2];
	[bflag:$0x3] =	sbarrier.arrive $0xFFFF;
	s2 =	simm.s32 @!p0 $0x1C01  }
0x47: {  	[timem:s3], [sflag:s2] =	dma.local @!p0 [hbm:s0], s1  }
0x48: {  	s0 =	simm.s32 @!p0 $0x1  }
0x49: {  	_ =	swait.ge @!p0 [sflag:s0], s1  }
0x4a: {  	s1 =	ssub.s32 @!p0 $0x0, s1;
	[sflag:s0] =	ssyncset.done @!p0 $0x0  }
0x4b: {  	[sflag:s0] =	ssyncadd.s32 @!p0 s1  }
0x4c: {  	[bflag:$0x3] =	sbarrier.arrive $0xFFFF  }
0x4d: {  	_ =	shalt  }

</sc_bundles>
